<compile_context>
chip_gen: v7x
topology: tpu7x:2x2x1
jax: 0.10.2.dev20260603
libtpu: 0.0.44.dev20260713+nightly
codegen_flags: <defaults>
</compile_context>

<pallas_src>
import functools

import jax
import jax.numpy as jnp
from jax import lax
from jax.experimental import pallas as pl
from jax.experimental.pallas import tpu as pltpu
from jax.experimental.pallas import tpu_sc as plsc

N_NODES = 10000
NFEAT = 128
NCLASS = 32
HID = 64
NLAYER = 6

NC, NS, L = 2, 16, 16
R = 10112
E_RAW = 320000 + N_NODES
CHUNK = 128
E_PAD = 331776
TRASH = N_NODES

ROW_BLK = 1264


def _front_body(x_ref, w1_ref, b1_ref, cs_ref, cd_ref, mc_ref,
                as_ref, ad_ref, z_ref):
    h0 = jax.nn.sigmoid(
        jnp.dot(x_ref[...], w1_ref[...], preferred_element_type=jnp.float32)
        + b1_ref[...])
    as_ref[...] = jnp.dot(h0, cs_ref[...], preferred_element_type=jnp.float32)
    ad_ref[...] = jnp.dot(h0, cd_ref[...], preferred_element_type=jnp.float32)
    z_ref[...] = jnp.dot(
        h0, mc_ref[...], preferred_element_type=jnp.float32
    ).astype(jnp.bfloat16)


def _tc_front(x_pad, w1t, b1, cs16, cd16, mc):
    nblk = R // ROW_BLK
    return pl.pallas_call(
        _front_body,
        grid=(nblk,),
        in_specs=[
            pl.BlockSpec((ROW_BLK, NFEAT), lambda i: (i, 0)),
            pl.BlockSpec((NFEAT, HID), lambda i: (0, 0)),
            pl.BlockSpec((1, HID), lambda i: (0, 0)),
            pl.BlockSpec((HID, 16), lambda i: (0, 0)),
            pl.BlockSpec((HID, 16), lambda i: (0, 0)),
            pl.BlockSpec((HID, NLAYER * NCLASS), lambda i: (0, 0)),
        ],
        out_specs=[
            pl.BlockSpec((ROW_BLK, 16), lambda i: (i, 0)),
            pl.BlockSpec((ROW_BLK, 16), lambda i: (i, 0)),
            pl.BlockSpec((ROW_BLK, NLAYER * NCLASS), lambda i: (i, 0)),
        ],
        out_shape=[
            jax.ShapeDtypeStruct((R, 16), jnp.float32),
            jax.ShapeDtypeStruct((R, 16), jnp.float32),
            jax.ShapeDtypeStruct((R, NLAYER * NCLASS), jnp.bfloat16),
        ],
    )(x_pad, w1t, b1, cs16, cd16, mc)


def _comb_body(p_ref, b_ref, o_ref):
    o_ref[...] = jax.nn.sigmoid(
        (p_ref[0] + p_ref[1]) * (1.0 / NLAYER) + b_ref[...])


def _tc_combine(parts, bias):
    nblk = R // ROW_BLK
    return pl.pallas_call(
        _comb_body,
        grid=(nblk,),
        in_specs=[
            pl.BlockSpec((NC, ROW_BLK, NCLASS), lambda i: (0, i, 0)),
            pl.BlockSpec((1, NCLASS), lambda i: (0, 0)),
        ],
        out_specs=pl.BlockSpec((ROW_BLK, NCLASS), lambda i: (i, 0)),
        out_shape=jax.ShapeDtypeStruct((R, NCLASS), jnp.float32),
    )(parts, bias)


_BCAST_DNUMS = lax.GatherDimensionNumbers(
    offset_dims=(), collapsed_slice_dims=(0,), start_index_map=(0,))


def _bcast(vec, i):
    idx = jnp.full((L, 1), i, dtype=jnp.int32)
    return lax.gather(vec, idx, _BCAST_DNUMS, (1,),
                      mode=lax.GatherScatterMode.PROMISE_IN_BOUNDS)


def _sc_body(edges, ast_h, adt_h, zi_h, zero32, parts,
             ast_s, adt_s, z_s, out_s,
             srcb, dstb, asb, adb, zb, ob):
    cid = lax.axis_index("c")
    sid = lax.axis_index("s")
    rpt = R // NS
    r0 = sid * rpt
    lane = lax.iota(jnp.int32, L)
    m813 = jnp.logical_and(lane >= 8, lane < 14)
    idx_up = jnp.bitwise_and(lane - 8, 15).reshape(L, 1)
    idx_dn = jnp.bitwise_and(lane + 8, 15).reshape(L, 1)

    pltpu.sync_copy(ast_h.at[pl.ds(r0, rpt)], ast_s.at[pl.ds(r0, rpt)])
    pltpu.sync_copy(adt_h.at[pl.ds(r0, rpt)], adt_s.at[pl.ds(r0, rpt)])
    pltpu.sync_copy(zi_h.at[pl.ds(r0, rpt)], z_s.at[pl.ds(r0, rpt)])
    pltpu.sync_copy(zero32.at[pl.ds(r0, rpt)], out_s.at[pl.ds(r0, rpt)])
    plsc.subcore_barrier()

    ept1 = E_PAD // NS
    nch1 = ept1 // CHUNK
    base1 = sid * ept1

    def p1(g, carry):
        off = base1 + g * CHUNK
        pltpu.sync_copy(edges.at[0, pl.ds(off, CHUNK)], srcb)
        pltpu.sync_copy(edges.at[1, pl.ds(off, CHUNK)], dstb)
        pltpu.sync_copy(ast_s.at[srcb], asb)
        pltpu.sync_copy(adt_s.at[dstb], adb)

        def row1(r, c):
            v = asb[r, :] + adb[r, :]
            e = jnp.where(v >= 0.0, v, 0.2 * v)
            ex = jnp.exp(e)
            exs = lax.gather(ex, idx_up, _BCAST_DNUMS, (1,),
                             mode=lax.GatherScatterMode.PROMISE_IN_BOUNDS)
            asb[r, :] = jnp.where(m813, exs, 0.0)
            return c

        lax.fori_loop(0, CHUNK, row1, 0)
        pltpu.sync_copy(asb, adt_s.at[dstb], add=True)
        return carry

    lax.fori_loop(0, nch1, p1, 0)
    plsc.subcore_barrier()

    ept2 = E_PAD // (NC * NS)
    nch2 = ept2 // CHUNK
    base2 = (cid * NS + sid) * ept2

    def p2(g, carry):
        off = base2 + g * CHUNK
        pltpu.sync_copy(edges.at[0, pl.ds(off, CHUNK)], srcb)
        pltpu.sync_copy(edges.at[1, pl.ds(off, CHUNK)], dstb)
        pltpu.sync_copy(ast_s.at[srcb], asb)
        pltpu.sync_copy(adt_s.at[dstb], adb)
        pltpu.sync_copy(z_s.at[srcb], zb)

        def row2(r, c):
            adrow = adb[r, :]
            v = asb[r, :] + adrow
            e = jnp.where(v >= 0.0, v, 0.2 * v)
            s_al = lax.gather(adrow, idx_dn, _BCAST_DNUMS, (1,),
                              mode=lax.GatherScatterMode.PROMISE_IN_BOUNDS)
            al = jnp.exp(e) / s_al
            acc_e = jnp.zeros((L,), jnp.float32)
            acc_o = jnp.zeros((L,), jnp.float32)
            for i in range(NLAYER):
                ai = _bcast(al, i)
                w = zb[r, pl.ds(16 * i, 16)]
                ze = lax.bitcast_convert_type(
                    jnp.left_shift(w, 16), jnp.float32)
                zo = lax.bitcast_convert_type(
                    jnp.bitwise_and(w, jnp.int32(-65536)), jnp.float32)
                acc_e = acc_e + ai * ze
                acc_o = acc_o + ai * zo
            ob[r, pl.ds(0, 16)] = acc_e
            ob[r, pl.ds(16, 16)] = acc_o
            return c

        lax.fori_loop(0, CHUNK, row2, 0)
        pltpu.sync_copy(ob, out_s.at[dstb], add=True)
        return carry

    lax.fori_loop(0, nch2, p2, 0)
    plsc.subcore_barrier()
    pltpu.sync_copy(out_s.at[pl.ds(r0, rpt)], parts.at[cid, pl.ds(r0, rpt)])


_sc_edge = functools.partial(
    pl.kernel,
    _sc_body,
    out_type=jax.ShapeDtypeStruct((NC, R, NCLASS), jnp.float32),
    mesh=plsc.VectorSubcoreMesh(
        core_axis_name="c", subcore_axis_name="s",
        num_cores=NC, num_subcores=NS),
    compiler_params=pltpu.CompilerParams(use_tc_tiling_on_sc=False),
    scratch_types=[
        pltpu.VMEM_SHARED((R, 16), jnp.float32),
        pltpu.VMEM_SHARED((R, 16), jnp.float32),
        pltpu.VMEM_SHARED((R, 96), jnp.int32),
        pltpu.VMEM_SHARED((R, NCLASS), jnp.float32),
        pltpu.VMEM((CHUNK,), jnp.int32),
        pltpu.VMEM((CHUNK,), jnp.int32),
        pltpu.VMEM((CHUNK, 16), jnp.float32),
        pltpu.VMEM((CHUNK, 16), jnp.float32),
        pltpu.VMEM((CHUNK, 96), jnp.int32),
        pltpu.VMEM((CHUNK, NCLASS), jnp.float32),
    ],
)()


def kernel(x, edge_index, supermask, Wx1, bx1, Wg, a_src, a_dst, bg, Wz1, bz1):
    f32 = jnp.float32
    cs = jnp.einsum("ihk,ih->ik", Wg, a_src)
    cd = jnp.einsum("ihk,ih->ik", Wg, a_dst)
    cs16 = jnp.zeros((16, HID), f32).at[:NLAYER].set(cs).T
    cd16 = jnp.zeros((16, HID), f32).at[:NLAYER].set(cd).T
    m = jnp.einsum("ch,ihk->ick", Wz1, Wg)
    perm = jnp.arange(NCLASS).reshape(16, 2).T.reshape(-1)
    inv = jnp.zeros((NCLASS,), jnp.int32).at[perm].set(jnp.arange(NCLASS))
    mperm = m[:, inv, :]
    mc = jnp.transpose(mperm, (2, 0, 1)).reshape(HID, NLAYER * NCLASS)
    bias = ((jnp.mean(bg, axis=0) @ Wz1.T) + bz1).reshape(1, NCLASS)

    x_pad = jnp.zeros((R, NFEAT), f32).at[:N_NODES].set(x)
    ast, adt, zb = _tc_front(x_pad, Wx1.T, bx1.reshape(1, HID),
                             cs16, cd16, mc)
    zi = lax.bitcast_convert_type(
        zb.reshape(R, NLAYER * NCLASS // 2, 2), jnp.int32)

    loop = jnp.arange(N_NODES, dtype=jnp.int32)
    padv = jnp.full((E_PAD - E_RAW,), TRASH, jnp.int32)
    src = jnp.concatenate([edge_index[0], loop, padv])
    dst = jnp.concatenate([edge_index[1], loop, padv])
    edges = jnp.stack([src, dst])

    zero32 = jnp.zeros((R, NCLASS), f32)
    parts = _sc_edge(edges, ast, adt, zi, zero32)
    out = _tc_combine(parts, bias)
    return out[:N_NODES]

# --- scband reference (transcript-rebuilt; emitter-appended) ---
"""Pipeline reference for scband-super-net-8967891714119 (READ-ONLY COPY).

The authoritative reference and input builder live on the scoring server;
editing this copy changes nothing except your own understanding.
"""

import jax, jax.numpy as jnp
import numpy as np

N_NODES = 10000
N_EDGES = 320000
NFEAT = 128
NCLASS = 32
HID = 64


def setup_inputs(seed: int = 0) -> dict:
    key = jax.random.key(seed)
    ks = jax.random.split(key, 12)
    x = jax.random.normal(ks[0], (N_NODES, NFEAT), dtype=jnp.float32)
    edge_index = jax.random.randint(ks[1], (2, N_EDGES), 0, N_NODES, dtype=jnp.int32)
    supermask = jnp.ones((8,), dtype=jnp.int32)
    # learned parameters
    Wx1 = jax.random.normal(ks[2], (HID, NFEAT), dtype=jnp.float32) * 0.05
    bx1 = jnp.zeros((HID,), dtype=jnp.float32)
    Wg = jax.random.normal(ks[3], (6, HID, HID), dtype=jnp.float32) * 0.1
    a_src = jax.random.normal(ks[4], (6, HID), dtype=jnp.float32) * 0.1
    a_dst = jax.random.normal(ks[5], (6, HID), dtype=jnp.float32) * 0.1
    bg = jnp.zeros((6, HID), dtype=jnp.float32)
    Wz1 = jax.random.normal(ks[6], (NCLASS, HID), dtype=jnp.float32) * 0.05
    bz1 = jnp.zeros((NCLASS,), dtype=jnp.float32)
    return {"x": x, "edge_index": edge_index, "supermask": supermask,
            "Wx1": Wx1, "bx1": bx1, "Wg": Wg, "a_src": a_src, "a_dst": a_dst,
            "bg": bg, "Wz1": Wz1, "bz1": bz1}


def _gat_layer(x, src, dst, W, a_s, a_d, b, N):
    # standard single-head GAT conv (with self-loops already appended to src/dst)
    h = x @ W.T
    alpha_src = h @ a_s
    alpha_dst = h @ a_d
    e = jax.nn.leaky_relu(alpha_src[src] + alpha_dst[dst], negative_slope=0.2)
    m = jax.lax.stop_gradient(jax.ops.segment_max(e, dst, num_segments=N))
    ex = jnp.exp(e - m[dst])
    s = jax.ops.segment_sum(ex, dst, num_segments=N)
    alpha = ex / (s[dst] + 1e-16)
    out = jax.ops.segment_sum(alpha[:, None] * h[src], dst, num_segments=N)
    return out + b


def reference(x, edge_index, supermask, Wx1, bx1, Wg, a_src, a_dst, bg, Wz1, bz1):
    # Faithful evaluation of SuperNet.forward for supermask = [1,1,1,1,1,1,1,1]:
    #   x = sigmoid(x1(x));  l_i = GAT_i(x, edge_index) for i=1..6 (all take x as input
    #   since supermask[j] in {1} selects the raw x branch);  out = sigmoid(z1(mean(l_1..l_6)))
    N = x.shape[0]
    loop = jnp.arange(N, dtype=edge_index.dtype)
    src = jnp.concatenate([edge_index[0], loop])
    dst = jnp.concatenate([edge_index[1], loop])
    h0 = jax.nn.sigmoid(x @ Wx1.T + bx1)
    outs = [_gat_layer(h0, src, dst, Wg[i], a_src[i], a_dst[i], bg[i], N) for i in range(6)]
    xa = jnp.mean(jnp.stack(outs, axis=0), axis=0)
    return jax.nn.sigmoid(xa @ Wz1.T + bz1)

if __name__ == "__main__":
    import jax
    _d = setup_inputs()
    print(jax.jit(kernel)(*tuple(_d.values())))

</pallas_src>

<mosaic_0001>
#map = affine_map<(d0, d1) -> (0, 0)>
#map1 = affine_map<(d0, d1) -> (0, 0, 0)>
module attributes {stable_mosaic.version = 14 : i64} {
  func.func @_sc_body(%arg0: i32, %arg1: i32, %arg2: memref<2x331776xi32, #tpu.memory_space<hbm>>, %arg3: memref<10112x16xf32, #tpu.memory_space<hbm>>, %arg4: memref<10112x16xf32, #tpu.memory_space<hbm>>, %arg5: memref<10112x96xi32, #tpu.memory_space<hbm>>, %arg6: memref<10112x32xf32, #tpu.memory_space<hbm>>, %arg7: memref<2x10112x32xf32, #tpu.memory_space<hbm>>, %arg8: memref<10112x16xf32, #tpu.memory_space<vmem_shared>>, %arg9: memref<10112x16xf32, #tpu.memory_space<vmem_shared>>, %arg10: memref<10112x96xi32, #tpu.memory_space<vmem_shared>>, %arg11: memref<10112x32xf32, #tpu.memory_space<vmem_shared>>, %arg12: memref<128xi32, #tpu.memory_space<vmem>>, %arg13: memref<128xi32, #tpu.memory_space<vmem>>, %arg14: memref<128x16xf32, #tpu.memory_space<vmem>>, %arg15: memref<128x16xf32, #tpu.memory_space<vmem>>, %arg16: memref<128x96xi32, #tpu.memory_space<vmem>>, %arg17: memref<128x32xf32, #tpu.memory_space<vmem>>) attributes {dimension_semantics = [#tpu.dimension_semantics<core_parallel>, #tpu.dimension_semantics<subcore_parallel>], iteration_bounds = array<i64: 2, 16>, scalar_prefetch = 0 : i64, scratch_operands = 10 : i64, tpu.core_type = #tpu.core_type<sc_vector_subcore>, window_params = [{transform_indices = #map}, {transform_indices = #map}, {transform_indices = #map}, {transform_indices = #map}, {transform_indices = #map}, {transform_indices = #map1}]} {
    %mul3A = arith.constant 632 : i32
    %mul3A_0 = arith.muli %arg1, %mul3A : i32
    %iota3A = tpu.iota {dimensions = array<i32: 0>} : vector<16xi32>
    %ge3A = arith.constant 8 : i32
    %ge3A_1 = vector.broadcast %ge3A : i32 to vector<16xi32>
    %ge3A_2 = arith.cmpi sge, %iota3A, %ge3A_1 : vector<16xi32>
    %lt3A = arith.constant 14 : i32
    %lt3A_3 = vector.broadcast %lt3A : i32 to vector<16xi32>
    %lt3A_4 = arith.cmpi slt, %iota3A, %lt3A_3 : vector<16xi32>
    %and3A = arith.andi %ge3A_2, %lt3A_4 : vector<16xi1>
    %sub3A = arith.constant 8 : i32
    %sub3A_5 = vector.broadcast %sub3A : i32 to vector<16xi32>
    %sub3A_6 = arith.subi %iota3A, %sub3A_5 : vector<16xi32>
    %and3A_7 = arith.constant 15 : i32
    %and3A_8 = vector.broadcast %and3A_7 : i32 to vector<16xi32>
    %and3A_9 = arith.andi %sub3A_6, %and3A_8 : vector<16xi32>
    %reshape3A = vector.shape_cast %and3A_9 : vector<16xi32> to vector<16x1xi32>
    %add3A = arith.constant 8 : i32
    %add3A_10 = vector.broadcast %add3A : i32 to vector<16xi32>
    %add3A_11 = arith.addi %iota3A, %add3A_10 : vector<16xi32>
    %and3A_12 = arith.constant 15 : i32
    %and3A_13 = vector.broadcast %and3A_12 : i32 to vector<16xi32>
    %and3A_14 = arith.andi %add3A_11, %and3A_13 : vector<16xi32>
    %reshape3A_15 = vector.shape_cast %and3A_14 : vector<16xi32> to vector<16x1xi32>
    "tpu.region"() ({
      %run_scoped3A = tpu.sem_alloc : memref<!tpu.dma_semaphore, #tpu.memory_space<semaphore_mem>>
      %dma_start3A = arith.constant 0 : i32
      %dma_start3A_36 = tpu.memref_slice %arg8[%mul3A_0, %dma_start3A] : memref<10112x16xf32, #tpu.memory_space<vmem_shared>> -> memref<632x16xf32, #tpu.memory_space<vmem_shared>>
      %dma_start3A_37 = arith.constant 0 : i32
      %dma_start3A_38 = tpu.memref_slice %arg3[%mul3A_0, %dma_start3A_37] : memref<10112x16xf32, #tpu.memory_space<hbm>> -> memref<632x16xf32, #tpu.memory_space<hbm>>
      tpu.enqueue_dma source(%dma_start3A_38 : memref<632x16xf32, #tpu.memory_space<hbm>>) target(%dma_start3A_36 : memref<632x16xf32, #tpu.memory_space<vmem_shared>>) target_semaphore(%run_scoped3A : memref<!tpu.dma_semaphore, #tpu.memory_space<semaphore_mem>>)
      %dma_wait3A = arith.constant 0 : i32
      %dma_wait3A_39 = tpu.memref_slice %arg8[%mul3A_0, %dma_wait3A] : memref<10112x16xf32, #tpu.memory_space<vmem_shared>> -> memref<632x16xf32, #tpu.memory_space<vmem_shared>>
      %dma_wait3A_40 = arith.constant 0 : i32
      %dma_wait3A_41 = tpu.memref_slice %arg3[%mul3A_0, %dma_wait3A_40] : memref<10112x16xf32, #tpu.memory_space<hbm>> -> memref<632x16xf32, #tpu.memory_space<hbm>>
      tpu.wait_dma2 semaphore(%run_scoped3A : memref<!tpu.dma_semaphore, #tpu.memory_space<semaphore_mem>>) src(%dma_wait3A_41 : memref<632x16xf32, #tpu.memory_space<hbm>>) dst(%dma_wait3A_39 : memref<632x16xf32, #tpu.memory_space<vmem_shared>>)
      tpu.yield
    }) : () -> ()
    "tpu.region"() ({
      %run_scoped3A = tpu.sem_alloc : memref<!tpu.dma_semaphore, #tpu.memory_space<semaphore_mem>>
      %dma_start3A = arith.constant 0 : i32
      %dma_start3A_36 = tpu.memref_slice %arg9[%mul3A_0, %dma_start3A] : memref<10112x16xf32, #tpu.memory_space<vmem_shared>> -> memref<632x16xf32, #tpu.memory_space<vmem_shared>>
      %dma_start3A_37 = arith.constant 0 : i32
      %dma_start3A_38 = tpu.memref_slice %arg4[%mul3A_0, %dma_start3A_37] : memref<10112x16xf32, #tpu.memory_space<hbm>> -> memref<632x16xf32, #tpu.memory_space<hbm>>
      tpu.enqueue_dma source(%dma_start3A_38 : memref<632x16xf32, #tpu.memory_space<hbm>>) target(%dma_start3A_36 : memref<632x16xf32, #tpu.memory_space<vmem_shared>>) target_semaphore(%run_scoped3A : memref<!tpu.dma_semaphore, #tpu.memory_space<semaphore_mem>>)
      %dma_wait3A = arith.constant 0 : i32
      %dma_wait3A_39 = tpu.memref_slice %arg9[%mul3A_0, %dma_wait3A] : memref<10112x16xf32, #tpu.memory_space<vmem_shared>> -> memref<632x16xf32, #tpu.memory_space<vmem_shared>>
      %dma_wait3A_40 = arith.constant 0 : i32
      %dma_wait3A_41 = tpu.memref_slice %arg4[%mul3A_0, %dma_wait3A_40] : memref<10112x16xf32, #tpu.memory_space<hbm>> -> memref<632x16xf32, #tpu.memory_space<hbm>>
      tpu.wait_dma2 semaphore(%run_scoped3A : memref<!tpu.dma_semaphore, #tpu.memory_space<semaphore_mem>>) src(%dma_wait3A_41 : memref<632x16xf32, #tpu.memory_space<hbm>>) dst(%dma_wait3A_39 : memref<632x16xf32, #tpu.memory_space<vmem_shared>>)
      tpu.yield
    }) : () -> ()
    "tpu.region"() ({
      %run_scoped3A = tpu.sem_alloc : memref<!tpu.dma_semaphore, #tpu.memory_space<semaphore_mem>>
      %dma_start3A = arith.constant 0 : i32
      %dma_start3A_36 = tpu.memref_slice %arg10[%mul3A_0, %dma_start3A] : memref<10112x96xi32, #tpu.memory_space<vmem_shared>> -> memref<632x96xi32, #tpu.memory_space<vmem_shared>>
      %dma_start3A_37 = arith.constant 0 : i32
      %dma_start3A_38 = tpu.memref_slice %arg5[%mul3A_0, %dma_start3A_37] : memref<10112x96xi32, #tpu.memory_space<hbm>> -> memref<632x96xi32, #tpu.memory_space<hbm>>
      tpu.enqueue_dma source(%dma_start3A_38 : memref<632x96xi32, #tpu.memory_space<hbm>>) target(%dma_start3A_36 : memref<632x96xi32, #tpu.memory_space<vmem_shared>>) target_semaphore(%run_scoped3A : memref<!tpu.dma_semaphore, #tpu.memory_space<semaphore_mem>>)
      %dma_wait3A = arith.constant 0 : i32
      %dma_wait3A_39 = tpu.memref_slice %arg10[%mul3A_0, %dma_wait3A] : memref<10112x96xi32, #tpu.memory_space<vmem_shared>> -> memref<632x96xi32, #tpu.memory_space<vmem_shared>>
      %dma_wait3A_40 = arith.constant 0 : i32
      %dma_wait3A_41 = tpu.memref_slice %arg5[%mul3A_0, %dma_wait3A_40] : memref<10112x96xi32, #tpu.memory_space<hbm>> -> memref<632x96xi32, #tpu.memory_space<hbm>>
      tpu.wait_dma2 semaphore(%run_scoped3A : memref<!tpu.dma_semaphore, #tpu.memory_space<semaphore_mem>>) src(%dma_wait3A_41 : memref<632x96xi32, #tpu.memory_space<hbm>>) dst(%dma_wait3A_39 : memref<632x96xi32, #tpu.memory_space<vmem_shared>>)
      tpu.yield
    }) : () -> ()
    "tpu.region"() ({
      %run_scoped3A = tpu.sem_alloc : memref<!tpu.dma_semaphore, #tpu.memory_space<semaphore_mem>>
      %dma_start3A = arith.constant 0 : i32
      %dma_start3A_36 = tpu.memref_slice %arg11[%mul3A_0, %dma_start3A] : memref<10112x32xf32, #tpu.memory_space<vmem_shared>> -> memref<632x32xf32, #tpu.memory_space<vmem_shared>>
      %dma_start3A_37 = arith.constant 0 : i32
      %dma_start3A_38 = tpu.memref_slice %arg6[%mul3A_0, %dma_start3A_37] : memref<10112x32xf32, #tpu.memory_space<hbm>> -> memref<632x32xf32, #tpu.memory_space<hbm>>
      tpu.enqueue_dma source(%dma_start3A_38 : memref<632x32xf32, #tpu.memory_space<hbm>>) target(%dma_start3A_36 : memref<632x32xf32, #tpu.memory_space<vmem_shared>>) target_semaphore(%run_scoped3A : memref<!tpu.dma_semaphore, #tpu.memory_space<semaphore_mem>>)
      %dma_wait3A = arith.constant 0 : i32
      %dma_wait3A_39 = tpu.memref_slice %arg11[%mul3A_0, %dma_wait3A] : memref<10112x32xf32, #tpu.memory_space<vmem_shared>> -> memref<632x32xf32, #tpu.memory_space<vmem_shared>>
      %dma_wait3A_40 = arith.constant 0 : i32
      %dma_wait3A_41 = tpu.memref_slice %arg6[%mul3A_0, %dma_wait3A_40] : memref<10112x32xf32, #tpu.memory_space<hbm>> -> memref<632x32xf32, #tpu.memory_space<hbm>>
      tpu.wait_dma2 semaphore(%run_scoped3A : memref<!tpu.dma_semaphore, #tpu.memory_space<semaphore_mem>>) src(%dma_wait3A_41 : memref<632x32xf32, #tpu.memory_space<hbm>>) dst(%dma_wait3A_39 : memref<632x32xf32, #tpu.memory_space<vmem_shared>>)
      tpu.yield
    }) : () -> ()
    %barrier3A = arith.constant 0 : index
    tpu.barrier barrier_id(%barrier3A)
    %mul3A_16 = arith.constant 20736 : i32
    %mul3A_17 = arith.muli %arg1, %mul3A_16 : i32
    %scan3A = arith.constant 0 : i32
    %scan3A_18 = arith.constant 0 : i32
    %scan3A_19 = arith.constant 162 : i32
    %scan3A_20 = arith.addi %scan3A_18, %scan3A_19 : i32
    %scan3A_21 = arith.constant 1 : i32
    scf.for %scan3A_36 = %scan3A_18 to %scan3A_20 step %scan3A_21  : i32 {
      %mul3A_37 = arith.constant 128 : i32
      %mul3A_38 = arith.muli %scan3A_36, %mul3A_37 : i32
      %add3A_39 = arith.addi %mul3A_17, %mul3A_38 : i32
      %run_scoped3A = arith.constant 0 : i32
      "tpu.region"() ({
        %run_scoped3A_47 = tpu.sem_alloc : memref<!tpu.dma_semaphore, #tpu.memory_space<semaphore_mem>>
        %dma_start3A = tpu.memref_slice %arg2[%run_scoped3A, %add3A_39] : memref<2x331776xi32, #tpu.memory_space<hbm>> -> memref<1x128xi32, #tpu.memory_space<hbm>>
        %dma_start3A_48 = tpu.memref_squeeze %dma_start3A : memref<1x128xi32, #tpu.memory_space<hbm>> -> memref<128xi32, #tpu.memory_space<hbm>>
        %dma_start3A_49 = tpu.memref_slice %arg2[%run_scoped3A, %add3A_39] : memref<2x331776xi32, #tpu.memory_space<hbm>> -> memref<1x128xi32, #tpu.memory_space<hbm>>
        %dma_start3A_50 = tpu.memref_squeeze %dma_start3A_49 : memref<1x128xi32, #tpu.memory_space<hbm>> -> memref<128xi32, #tpu.memory_space<hbm>>
        tpu.enqueue_dma source(%dma_start3A_50 : memref<128xi32, #tpu.memory_space<hbm>>) target(%arg12 : memref<128xi32, #tpu.memory_space<vmem>>) target_semaphore(%run_scoped3A_47 : memref<!tpu.dma_semaphore, #tpu.memory_space<semaphore_mem>>)
        %dma_wait3A = tpu.memref_slice %arg2[%run_scoped3A, %add3A_39] : memref<2x331776xi32, #tpu.memory_space<hbm>> -> memref<1x128xi32, #tpu.memory_space<hbm>>
        %dma_wait3A_51 = tpu.memref_squeeze %dma_wait3A : memref<1x128xi32, #tpu.memory_space<hbm>> -> memref<128xi32, #tpu.memory_space<hbm>>
        %dma_wait3A_52 = tpu.memref_slice %arg2[%run_scoped3A, %add3A_39] : memref<2x331776xi32, #tpu.memory_space<hbm>> -> memref<1x128xi32, #tpu.memory_space<hbm>>
        %dma_wait3A_53 = tpu.memref_squeeze %dma_wait3A_52 : memref<1x128xi32, #tpu.memory_space<hbm>> -> memref<128xi32, #tpu.memory_space<hbm>>
        tpu.wait_dma2 semaphore(%run_scoped3A_47 : memref<!tpu.dma_semaphore, #tpu.memory_space<semaphore_mem>>) src(%dma_wait3A_53 : memref<128xi32, #tpu.memory_space<hbm>>) dst(%arg12 : memref<128xi32, #tpu.memory_space<vmem>>)
        tpu.yield
      }) : () -> ()
      %run_scoped3A_40 = arith.constant 1 : i32
      "tpu.region"() ({
        %run_scoped3A_47 = tpu.sem_alloc : memref<!tpu.dma_semaphore, #tpu.memory_space<semaphore_mem>>
        %dma_start3A = tpu.memref_slice %arg2[%run_scoped3A_40, %add3A_39] : memref<2x331776xi32, #tpu.memory_space<hbm>> -> memref<1x128xi32, #tpu.memory_space<hbm>>
        %dma_start3A_48 = tpu.memref_squeeze %dma_start3A : memref<1x128xi32, #tpu.memory_space<hbm>> -> memref<128xi32, #tpu.memory_space<hbm>>
        %dma_start3A_49 = tpu.memref_slice %arg2[%run_scoped3A_40, %add3A_39] : memref<2x331776xi32, #tpu.memory_space<hbm>> -> memref<1x128xi32, #tpu.memory_space<hbm>>
        %dma_start3A_50 = tpu.memref_squeeze %dma_start3A_49 : memref<1x128xi32, #tpu.memory_space<hbm>> -> memref<128xi32, #tpu.memory_space<hbm>>
        tpu.enqueue_dma source(%dma_start3A_50 : memref<128xi32, #tpu.memory_space<hbm>>) target(%arg13 : memref<128xi32, #tpu.memory_space<vmem>>) target_semaphore(%run_scoped3A_47 : memref<!tpu.dma_semaphore, #tpu.memory_space<semaphore_mem>>)
        %dma_wait3A = tpu.memref_slice %arg2[%run_scoped3A_40, %add3A_39] : memref<2x331776xi32, #tpu.memory_space<hbm>> -> memref<1x128xi32, #tpu.memory_space<hbm>>
        %dma_wait3A_51 = tpu.memref_squeeze %dma_wait3A : memref<1x128xi32, #tpu.memory_space<hbm>> -> memref<128xi32, #tpu.memory_space<hbm>>
        %dma_wait3A_52 = tpu.memref_slice %arg2[%run_scoped3A_40, %add3A_39] : memref<2x331776xi32, #tpu.memory_space<hbm>> -> memref<1x128xi32, #tpu.memory_space<hbm>>
        %dma_wait3A_53 = tpu.memref_squeeze %dma_wait3A_52 : memref<1x128xi32, #tpu.memory_space<hbm>> -> memref<128xi32, #tpu.memory_space<hbm>>
        tpu.wait_dma2 semaphore(%run_scoped3A_47 : memref<!tpu.dma_semaphore, #tpu.memory_space<semaphore_mem>>) src(%dma_wait3A_53 : memref<128xi32, #tpu.memory_space<hbm>>) dst(%arg13 : memref<128xi32, #tpu.memory_space<vmem>>)
        tpu.yield
      }) : () -> ()
      "tpu.region"() ({
        %run_scoped3A_47 = tpu.sem_alloc : memref<!tpu.dma_semaphore, #tpu.memory_space<semaphore_mem>>
        %dma_start3A = arith.constant 0 : i32
        %dma_start3A_48 = arith.constant 0 : i32
        %dma_start3A_49 = tpu.memref_slice %arg8[%dma_start3A, %dma_start3A_48] : memref<10112x16xf32, #tpu.memory_space<vmem_shared>> -> memref<10112x16xf32, #tpu.memory_space<vmem_shared>>
        tpu.enqueue_indirect_dma source(%dma_start3A_49 : memref<10112x16xf32, #tpu.memory_space<vmem_shared>>) target(%arg14 : memref<128x16xf32, #tpu.memory_space<vmem>>) offsets(%arg12 : memref<128xi32, #tpu.memory_space<vmem>>) semaphore(%run_scoped3A_47 : memref<!tpu.dma_semaphore, #tpu.memory_space<semaphore_mem>>)
        %dma_wait3A = arith.constant 0 : i32
        %dma_wait3A_50 = arith.constant 0 : i32
        %dma_wait3A_51 = tpu.memref_slice %arg8[%dma_wait3A, %dma_wait3A_50] : memref<10112x16xf32, #tpu.memory_space<vmem_shared>> -> memref<10112x16xf32, #tpu.memory_space<vmem_shared>>
        tpu.wait_indirect_dma semaphore(%run_scoped3A_47 : memref<!tpu.dma_semaphore, #tpu.memory_space<semaphore_mem>>) src(%dma_wait3A_51 : memref<10112x16xf32, #tpu.memory_space<vmem_shared>>) dst(%arg14 : memref<128x16xf32, #tpu.memory_space<vmem>>)
        tpu.yield
      }) : () -> ()
      "tpu.region"() ({
        %run_scoped3A_47 = tpu.sem_alloc : memref<!tpu.dma_semaphore, #tpu.memory_space<semaphore_mem>>
        %dma_start3A = arith.constant 0 : i32
        %dma_start3A_48 = arith.constant 0 : i32
        %dma_start3A_49 = tpu.memref_slice %arg9[%dma_start3A, %dma_start3A_48] : memref<10112x16xf32, #tpu.memory_space<vmem_shared>> -> memref<10112x16xf32, #tpu.memory_space<vmem_shared>>
        tpu.enqueue_indirect_dma source(%dma_start3A_49 : memref<10112x16xf32, #tpu.memory_space<vmem_shared>>) target(%arg15 : memref<128x16xf32, #tpu.memory_space<vmem>>) offsets(%arg13 : memref<128xi32, #tpu.memory_space<vmem>>) semaphore(%run_scoped3A_47 : memref<!tpu.dma_semaphore, #tpu.memory_space<semaphore_mem>>)
        %dma_wait3A = arith.constant 0 : i32
        %dma_wait3A_50 = arith.constant 0 : i32
        %dma_wait3A_51 = tpu.memref_slice %arg9[%dma_wait3A, %dma_wait3A_50] : memref<10112x16xf32, #tpu.memory_space<vmem_shared>> -> memref<10112x16xf32, #tpu.memory_space<vmem_shared>>
        tpu.wait_indirect_dma semaphore(%run_scoped3A_47 : memref<!tpu.dma_semaphore, #tpu.memory_space<semaphore_mem>>) src(%dma_wait3A_51 : memref<10112x16xf32, #tpu.memory_space<vmem_shared>>) dst(%arg15 : memref<128x16xf32, #tpu.memory_space<vmem>>)
        tpu.yield
      }) : () -> ()
      %scan3A_41 = arith.constant 0 : i32
      %scan3A_42 = arith.constant 0 : i32
      %scan3A_43 = arith.constant 128 : i32
      %scan3A_44 = arith.addi %scan3A_42, %scan3A_43 : i32
      %scan3A_45 = arith.constant 1 : i32
      scf.for %scan3A_47 = %scan3A_42 to %scan3A_44 step %scan3A_45  : i32 {
        %get3A = arith.index_cast %scan3A_47 : i32 to index
        %get3A_48 = arith.constant 0 : index
        %get3A_49 = tpu.vector_load %arg14[%get3A, %get3A_48] {strides = array<i32>} : memref<128x16xf32, #tpu.memory_space<vmem>>, vector<1x16xf32>,
        %get3A_50 = vector.shape_cast %get3A_49 : vector<1x16xf32> to vector<16xf32>
        %get3A_51 = arith.index_cast %scan3A_47 : i32 to index
        %get3A_52 = arith.constant 0 : index
        %get3A_53 = tpu.vector_load %arg15[%get3A_51, %get3A_52] {strides = array<i32>} : memref<128x16xf32, #tpu.memory_space<vmem>>, vector<1x16xf32>,
        %get3A_54 = vector.shape_cast %get3A_53 : vector<1x16xf32> to vector<16xf32>
        %add3A_55 = arith.addf %get3A_50, %get3A_54 : vector<16xf32>
        %ge3A_56 = arith.constant 0.000000e+00 : f32
        %ge3A_57 = vector.broadcast %ge3A_56 : f32 to vector<16xf32>
        %ge3A_58 = arith.cmpf oge, %add3A_55, %ge3A_57 : vector<16xf32>
        %mul3A_59 = arith.constant 2.000000e-01 : f32
        %mul3A_60 = vector.broadcast %mul3A_59 : f32 to vector<16xf32>
        %mul3A_61 = arith.mulf %mul3A_60, %add3A_55 : vector<16xf32>
        %select_n3A = arith.select %ge3A_58, %add3A_55, %mul3A_61 : vector<16xi1>, vector<16xf32>
        %exp3A = math.exp %select_n3A : vector<16xf32>
        %gather3A = vector.shape_cast %reshape3A : vector<16x1xi32> to vector<16xi32>
        %gather3A_62 = tpu.dynamic_gather %exp3A[%gather3A] in [0] : vector<16xf32>, vector<16xi32> -> vector<16xf32>
        %jit3A = arith.constant 0.000000e+00 : f32
        %broadcast_in_dim3A = vector.broadcast %jit3A : f32 to vector<16xf32>
        %select_n3A_63 = arith.select %and3A, %gather3A_62, %broadcast_in_dim3A : vector<16xi1>, vector<16xf32>
        %swap3A = arith.index_cast %scan3A_47 : i32 to index
        %swap3A_64 = arith.constant 0 : index
        %swap3A_65 = tpu.vector_load %arg14[%swap3A, %swap3A_64] {strides = array<i32>} : memref<128x16xf32, #tpu.memory_space<vmem>>, vector<1x16xf32>,
        %swap3A_66 = vector.shape_cast %swap3A_65 : vector<1x16xf32> to vector<16xf32>
        %swap3A_67 = vector.shape_cast %select_n3A_63 : vector<16xf32> to vector<1x16xf32>
        tpu.vector_store %arg14[%swap3A, %swap3A_64], %swap3A_67 {strides = array<i32>} : memref<128x16xf32, #tpu.memory_space<vmem>>, vector<1x16xf32>,
      }
      %scan3A_46 = arith.constant 128 : i32
      "tpu.region"() ({
        %run_scoped3A_47 = tpu.sem_alloc : memref<!tpu.dma_semaphore, #tpu.memory_space<semaphore_mem>>
        %dma_start3A = arith.constant 0 : i32
        %dma_start3A_48 = arith.constant 0 : i32
        %dma_start3A_49 = tpu.memref_slice %arg9[%dma_start3A, %dma_start3A_48] : memref<10112x16xf32, #tpu.memory_space<vmem_shared>> -> memref<10112x16xf32, #tpu.memory_space<vmem_shared>>
        tpu.enqueue_indirect_dma source(%arg14 : memref<128x16xf32, #tpu.memory_space<vmem>>) target(%dma_start3A_49 : memref<10112x16xf32, #tpu.memory_space<vmem_shared>>) offsets(%arg13 : memref<128xi32, #tpu.memory_space<vmem>>) semaphore(%run_scoped3A_47 : memref<!tpu.dma_semaphore, #tpu.memory_space<semaphore_mem>>) {add = true}
        %dma_wait3A = arith.constant 0 : i32
        %dma_wait3A_50 = arith.constant 0 : i32
        %dma_wait3A_51 = tpu.memref_slice %arg9[%dma_wait3A, %dma_wait3A_50] : memref<10112x16xf32, #tpu.memory_space<vmem_shared>> -> memref<10112x16xf32, #tpu.memory_space<vmem_shared>>
        tpu.wait_indirect_dma semaphore(%run_scoped3A_47 : memref<!tpu.dma_semaphore, #tpu.memory_space<semaphore_mem>>) src(%arg14 : memref<128x16xf32, #tpu.memory_space<vmem>>) dst(%dma_wait3A_51 : memref<10112x16xf32, #tpu.memory_space<vmem_shared>>)
        tpu.yield
      }) : () -> ()
    }
    %scan3A_22 = arith.constant 162 : i32
    %barrier3A_23 = arith.constant 0 : index
    tpu.barrier barrier_id(%barrier3A_23)
    %mul3A_24 = arith.constant 16 : i32
    %mul3A_25 = arith.muli %arg0, %mul3A_24 : i32
    %add3A_26 = arith.addi %mul3A_25, %arg1 : i32
    %mul3A_27 = arith.constant 10368 : i32
    %mul3A_28 = arith.muli %add3A_26, %mul3A_27 : i32
    %scan3A_29 = arith.constant 0 : i32
    %scan3A_30 = arith.constant 0 : i32
    %scan3A_31 = arith.constant 81 : i32
    %scan3A_32 = arith.addi %scan3A_30, %scan3A_31 : i32
    %scan3A_33 = arith.constant 1 : i32
    scf.for %scan3A_36 = %scan3A_30 to %scan3A_32 step %scan3A_33  : i32 {
      %mul3A_37 = arith.constant 128 : i32
      %mul3A_38 = arith.muli %scan3A_36, %mul3A_37 : i32
      %add3A_39 = arith.addi %mul3A_28, %mul3A_38 : i32
      %run_scoped3A = arith.constant 0 : i32
      "tpu.region"() ({
        %run_scoped3A_47 = tpu.sem_alloc : memref<!tpu.dma_semaphore, #tpu.memory_space<semaphore_mem>>
        %dma_start3A = tpu.memref_slice %arg2[%run_scoped3A, %add3A_39] : memref<2x331776xi32, #tpu.memory_space<hbm>> -> memref<1x128xi32, #tpu.memory_space<hbm>>
        %dma_start3A_48 = tpu.memref_squeeze %dma_start3A : memref<1x128xi32, #tpu.memory_space<hbm>> -> memref<128xi32, #tpu.memory_space<hbm>>
        %dma_start3A_49 = tpu.memref_slice %arg2[%run_scoped3A, %add3A_39] : memref<2x331776xi32, #tpu.memory_space<hbm>> -> memref<1x128xi32, #tpu.memory_space<hbm>>
        %dma_start3A_50 = tpu.memref_squeeze %dma_start3A_49 : memref<1x128xi32, #tpu.memory_space<hbm>> -> memref<128xi32, #tpu.memory_space<hbm>>
        tpu.enqueue_dma source(%dma_start3A_50 : memref<128xi32, #tpu.memory_space<hbm>>) target(%arg12 : memref<128xi32, #tpu.memory_space<vmem>>) target_semaphore(%run_scoped3A_47 : memref<!tpu.dma_semaphore, #tpu.memory_space<semaphore_mem>>)
        %dma_wait3A = tpu.memref_slice %arg2[%run_scoped3A, %add3A_39] : memref<2x331776xi32, #tpu.memory_space<hbm>> -> memref<1x128xi32, #tpu.memory_space<hbm>>
        %dma_wait3A_51 = tpu.memref_squeeze %dma_wait3A : memref<1x128xi32, #tpu.memory_space<hbm>> -> memref<128xi32, #tpu.memory_space<hbm>>
        %dma_wait3A_52 = tpu.memref_slice %arg2[%run_scoped3A, %add3A_39] : memref<2x331776xi32, #tpu.memory_space<hbm>> -> memref<1x128xi32, #tpu.memory_space<hbm>>
        %dma_wait3A_53 = tpu.memref_squeeze %dma_wait3A_52 : memref<1x128xi32, #tpu.memory_space<hbm>> -> memref<128xi32, #tpu.memory_space<hbm>>
        tpu.wait_dma2 semaphore(%run_scoped3A_47 : memref<!tpu.dma_semaphore, #tpu.memory_space<semaphore_mem>>) src(%dma_wait3A_53 : memref<128xi32, #tpu.memory_space<hbm>>) dst(%arg12 : memref<128xi32, #tpu.memory_space<vmem>>)
        tpu.yield
      }) : () -> ()
      %run_scoped3A_40 = arith.constant 1 : i32
      "tpu.region"() ({
        %run_scoped3A_47 = tpu.sem_alloc : memref<!tpu.dma_semaphore, #tpu.memory_space<semaphore_mem>>
        %dma_start3A = tpu.memref_slice %arg2[%run_scoped3A_40, %add3A_39] : memref<2x331776xi32, #tpu.memory_space<hbm>> -> memref<1x128xi32, #tpu.memory_space<hbm>>
        %dma_start3A_48 = tpu.memref_squeeze %dma_start3A : memref<1x128xi32, #tpu.memory_space<hbm>> -> memref<128xi32, #tpu.memory_space<hbm>>
        %dma_start3A_49 = tpu.memref_slice %arg2[%run_scoped3A_40, %add3A_39] : memref<2x331776xi32, #tpu.memory_space<hbm>> -> memref<1x128xi32, #tpu.memory_space<hbm>>
        %dma_start3A_50 = tpu.memref_squeeze %dma_start3A_49 : memref<1x128xi32, #tpu.memory_space<hbm>> -> memref<128xi32, #tpu.memory_space<hbm>>
        tpu.enqueue_dma source(%dma_start3A_50 : memref<128xi32, #tpu.memory_space<hbm>>) target(%arg13 : memref<128xi32, #tpu.memory_space<vmem>>) target_semaphore(%run_scoped3A_47 : memref<!tpu.dma_semaphore, #tpu.memory_space<semaphore_mem>>)
        %dma_wait3A = tpu.memref_slice %arg2[%run_scoped3A_40, %add3A_39] : memref<2x331776xi32, #tpu.memory_space<hbm>> -> memref<1x128xi32, #tpu.memory_space<hbm>>
        %dma_wait3A_51 = tpu.memref_squeeze %dma_wait3A : memref<1x128xi32, #tpu.memory_space<hbm>> -> memref<128xi32, #tpu.memory_space<hbm>>
        %dma_wait3A_52 = tpu.memref_slice %arg2[%run_scoped3A_40, %add3A_39] : memref<2x331776xi32, #tpu.memory_space<hbm>> -> memref<1x128xi32, #tpu.memory_space<hbm>>
        %dma_wait3A_53 = tpu.memref_squeeze %dma_wait3A_52 : memref<1x128xi32, #tpu.memory_space<hbm>> -> memref<128xi32, #tpu.memory_space<hbm>>
        tpu.wait_dma2 semaphore(%run_scoped3A_47 : memref<!tpu.dma_semaphore, #tpu.memory_space<semaphore_mem>>) src(%dma_wait3A_53 : memref<128xi32, #tpu.memory_space<hbm>>) dst(%arg13 : memref<128xi32, #tpu.memory_space<vmem>>)
        tpu.yield
      }) : () -> ()
      "tpu.region"() ({
        %run_scoped3A_47 = tpu.sem_alloc : memref<!tpu.dma_semaphore, #tpu.memory_space<semaphore_mem>>
        %dma_start3A = arith.constant 0 : i32
        %dma_start3A_48 = arith.constant 0 : i32
        %dma_start3A_49 = tpu.memref_slice %arg8[%dma_start3A, %dma_start3A_48] : memref<10112x16xf32, #tpu.memory_space<vmem_shared>> -> memref<10112x16xf32, #tpu.memory_space<vmem_shared>>
        tpu.enqueue_indirect_dma source(%dma_start3A_49 : memref<10112x16xf32, #tpu.memory_space<vmem_shared>>) target(%arg14 : memref<128x16xf32, #tpu.memory_space<vmem>>) offsets(%arg12 : memref<128xi32, #tpu.memory_space<vmem>>) semaphore(%run_scoped3A_47 : memref<!tpu.dma_semaphore, #tpu.memory_space<semaphore_mem>>)
        %dma_wait3A = arith.constant 0 : i32
        %dma_wait3A_50 = arith.constant 0 : i32
        %dma_wait3A_51 = tpu.memref_slice %arg8[%dma_wait3A, %dma_wait3A_50] : memref<10112x16xf32, #tpu.memory_space<vmem_shared>> -> memref<10112x16xf32, #tpu.memory_space<vmem_shared>>
        tpu.wait_indirect_dma semaphore(%run_scoped3A_47 : memref<!tpu.dma_semaphore, #tpu.memory_space<semaphore_mem>>) src(%dma_wait3A_51 : memref<10112x16xf32, #tpu.memory_space<vmem_shared>>) dst(%arg14 : memref<128x16xf32, #tpu.memory_space<vmem>>)
        tpu.yield
      }) : () -> ()
      "tpu.region"() ({
        %run_scoped3A_47 = tpu.sem_alloc : memref<!tpu.dma_semaphore, #tpu.memory_space<semaphore_mem>>
        %dma_start3A = arith.constant 0 : i32
        %dma_start3A_48 = arith.constant 0 : i32
        %dma_start3A_49 = tpu.memref_slice %arg9[%dma_start3A, %dma_start3A_48] : memref<10112x16xf32, #tpu.memory_space<vmem_shared>> -> memref<10112x16xf32, #tpu.memory_space<vmem_shared>>
        tpu.enqueue_indirect_dma source(%dma_start3A_49 : memref<10112x16xf32, #tpu.memory_space<vmem_shared>>) target(%arg15 : memref<128x16xf32, #tpu.memory_space<vmem>>) offsets(%arg13 : memref<128xi32, #tpu.memory_space<vmem>>) semaphore(%run_scoped3A_47 : memref<!tpu.dma_semaphore, #tpu.memory_space<semaphore_mem>>)
        %dma_wait3A = arith.constant 0 : i32
        %dma_wait3A_50 = arith.constant 0 : i32
        %dma_wait3A_51 = tpu.memref_slice %arg9[%dma_wait3A, %dma_wait3A_50] : memref<10112x16xf32, #tpu.memory_space<vmem_shared>> -> memref<10112x16xf32, #tpu.memory_space<vmem_shared>>
        tpu.wait_indirect_dma semaphore(%run_scoped3A_47 : memref<!tpu.dma_semaphore, #tpu.memory_space<semaphore_mem>>) src(%dma_wait3A_51 : memref<10112x16xf32, #tpu.memory_space<vmem_shared>>) dst(%arg15 : memref<128x16xf32, #tpu.memory_space<vmem>>)
        tpu.yield
      }) : () -> ()
      "tpu.region"() ({
        %run_scoped3A_47 = tpu.sem_alloc : memref<!tpu.dma_semaphore, #tpu.memory_space<semaphore_mem>>
        %dma_start3A = arith.constant 0 : i32
        %dma_start3A_48 = arith.constant 0 : i32
        %dma_start3A_49 = tpu.memref_slice %arg10[%dma_start3A, %dma_start3A_48] : memref<10112x96xi32, #tpu.memory_space<vmem_shared>> -> memref<10112x96xi32, #tpu.memory_space<vmem_shared>>
        tpu.enqueue_indirect_dma source(%dma_start3A_49 : memref<10112x96xi32, #tpu.memory_space<vmem_shared>>) target(%arg16 : memref<128x96xi32, #tpu.memory_space<vmem>>) offsets(%arg12 : memref<128xi32, #tpu.memory_space<vmem>>) semaphore(%run_scoped3A_47 : memref<!tpu.dma_semaphore, #tpu.memory_space<semaphore_mem>>)
        %dma_wait3A = arith.constant 0 : i32
        %dma_wait3A_50 = arith.constant 0 : i32
        %dma_wait3A_51 = tpu.memref_slice %arg10[%dma_wait3A, %dma_wait3A_50] : memref<10112x96xi32, #tpu.memory_space<vmem_shared>> -> memref<10112x96xi32, #tpu.memory_space<vmem_shared>>
        tpu.wait_indirect_dma semaphore(%run_scoped3A_47 : memref<!tpu.dma_semaphore, #tpu.memory_space<semaphore_mem>>) src(%dma_wait3A_51 : memref<10112x96xi32, #tpu.memory_space<vmem_shared>>) dst(%arg16 : memref<128x96xi32, #tpu.memory_space<vmem>>)
        tpu.yield
      }) : () -> ()
      %scan3A_41 = arith.constant 0 : i32
      %scan3A_42 = arith.constant 0 : i32
      %scan3A_43 = arith.constant 128 : i32
      %scan3A_44 = arith.addi %scan3A_42, %scan3A_43 : i32
      %scan3A_45 = arith.constant 1 : i32
      scf.for %scan3A_47 = %scan3A_42 to %scan3A_44 step %scan3A_45  : i32 {
        %get3A = arith.index_cast %scan3A_47 : i32 to index
        %get3A_48 = arith.constant 0 : index
        %get3A_49 = tpu.vector_load %arg15[%get3A, %get3A_48] {strides = array<i32>} : memref<128x16xf32, #tpu.memory_space<vmem>>, vector<1x16xf32>,
        %get3A_50 = vector.shape_cast %get3A_49 : vector<1x16xf32> to vector<16xf32>
        %get3A_51 = arith.index_cast %scan3A_47 : i32 to index
        %get3A_52 = arith.constant 0 : index
        %get3A_53 = tpu.vector_load %arg14[%get3A_51, %get3A_52] {strides = array<i32>} : memref<128x16xf32, #tpu.memory_space<vmem>>, vector<1x16xf32>,
        %get3A_54 = vector.shape_cast %get3A_53 : vector<1x16xf32> to vector<16xf32>
        %add3A_55 = arith.addf %get3A_54, %get3A_50 : vector<16xf32>
        %ge3A_56 = arith.constant 0.000000e+00 : f32
        %ge3A_57 = vector.broadcast %ge3A_56 : f32 to vector<16xf32>
        %ge3A_58 = arith.cmpf oge, %add3A_55, %ge3A_57 : vector<16xf32>
        %mul3A_59 = arith.constant 2.000000e-01 : f32
        %mul3A_60 = vector.broadcast %mul3A_59 : f32 to vector<16xf32>
        %mul3A_61 = arith.mulf %mul3A_60, %add3A_55 : vector<16xf32>
        %select_n3A = arith.select %ge3A_58, %add3A_55, %mul3A_61 : vector<16xi1>, vector<16xf32>
        %gather3A = vector.shape_cast %reshape3A_15 : vector<16x1xi32> to vector<16xi32>
        %gather3A_62 = tpu.dynamic_gather %get3A_50[%gather3A] in [0] : vector<16xf32>, vector<16xi32> -> vector<16xf32>
        %exp3A = math.exp %select_n3A : vector<16xf32>
        %div3A = arith.divf %exp3A, %gather3A_62 : vector<16xf32>
        %broadcast_in_dim3A = arith.constant 0.000000e+00 : f32
        %broadcast_in_dim3A_63 = vector.broadcast %broadcast_in_dim3A : f32 to vector<16xf32>
        %broadcast_in_dim3A_64 = arith.constant 0.000000e+00 : f32
        %broadcast_in_dim3A_65 = vector.broadcast %broadcast_in_dim3A_64 : f32 to vector<16xf32>
        %broadcast_in_dim3A_66 = arith.constant 0 : i32
        %broadcast_in_dim3A_67 = vector.broadcast %broadcast_in_dim3A_66 : i32 to vector<16x1xi32>
        %gather3A_68 = vector.shape_cast %broadcast_in_dim3A_67 : vector<16x1xi32> to vector<16xi32>
        %gather3A_69 = tpu.dynamic_gather %div3A[%gather3A_68] in [0] : vector<16xf32>, vector<16xi32> -> vector<16xf32>
        %get3A_70 = arith.index_cast %scan3A_47 : i32 to index
        %get3A_71 = arith.constant 0 : index
        %get3A_72 = tpu.vector_load %arg16[%get3A_70, %get3A_71] {strides = array<i32>} : memref<128x96xi32, #tpu.memory_space<vmem>>, vector<1x16xi32>,
        %get3A_73 = vector.shape_cast %get3A_72 : vector<1x16xi32> to vector<16xi32>
        %shift_left3A = arith.constant 16 : i32
        %shift_left3A_74 = vector.broadcast %shift_left3A : i32 to vector<16xi32>
        %shift_left3A_75 = arith.shli %get3A_73, %shift_left3A_74 : vector<16xi32>
        %bitcast_convert_type3A = tpu.bitcast %shift_left3A_75 : vector<16xi32> -> vector<16xf32>
        %and3A_76 = arith.constant -65536 : i32
        %and3A_77 = vector.broadcast %and3A_76 : i32 to vector<16xi32>
        %and3A_78 = arith.andi %get3A_73, %and3A_77 : vector<16xi32>
        %bitcast_convert_type3A_79 = tpu.bitcast %and3A_78 : vector<16xi32> -> vector<16xf32>
        %mul3A_80 = arith.mulf %gather3A_69, %bitcast_convert_type3A : vector<16xf32>
        %add3A_81 = arith.addf %broadcast_in_dim3A_63, %mul3A_80 : vector<16xf32>
        %mul3A_82 = arith.mulf %gather3A_69, %bitcast_convert_type3A_79 : vector<16xf32>
        %add3A_83 = arith.addf %broadcast_in_dim3A_65, %mul3A_82 : vector<16xf32>
        %broadcast_in_dim3A_84 = arith.constant 1 : i32
        %broadcast_in_dim3A_85 = vector.broadcast %broadcast_in_dim3A_84 : i32 to vector<16x1xi32>
        %gather3A_86 = vector.shape_cast %broadcast_in_dim3A_85 : vector<16x1xi32> to vector<16xi32>
        %gather3A_87 = tpu.dynamic_gather %div3A[%gather3A_86] in [0] : vector<16xf32>, vector<16xi32> -> vector<16xf32>
        %get3A_88 = arith.index_cast %scan3A_47 : i32 to index
        %get3A_89 = arith.constant 16 : index
        %get3A_90 = tpu.vector_load %arg16[%get3A_88, %get3A_89] {strides = array<i32>} : memref<128x96xi32, #tpu.memory_space<vmem>>, vector<1x16xi32>,
        %get3A_91 = vector.shape_cast %get3A_90 : vector<1x16xi32> to vector<16xi32>
        %shift_left3A_92 = arith.constant 16 : i32
        %shift_left3A_93 = vector.broadcast %shift_left3A_92 : i32 to vector<16xi32>
        %shift_left3A_94 = arith.shli %get3A_91, %shift_left3A_93 : vector<16xi32>
        %bitcast_convert_type3A_95 = tpu.bitcast %shift_left3A_94 : vector<16xi32> -> vector<16xf32>
        %and3A_96 = arith.constant -65536 : i32
        %and3A_97 = vector.broadcast %and3A_96 : i32 to vector<16xi32>
        %and3A_98 = arith.andi %get3A_91, %and3A_97 : vector<16xi32>
        %bitcast_convert_type3A_99 = tpu.bitcast %and3A_98 : vector<16xi32> -> vector<16xf32>
        %mul3A_100 = arith.mulf %gather3A_87, %bitcast_convert_type3A_95 : vector<16xf32>
        %add3A_101 = arith.addf %add3A_81, %mul3A_100 : vector<16xf32>
        %mul3A_102 = arith.mulf %gather3A_87, %bitcast_convert_type3A_99 : vector<16xf32>
        %add3A_103 = arith.addf %add3A_83, %mul3A_102 : vector<16xf32>
        %broadcast_in_dim3A_104 = arith.constant 2 : i32
        %broadcast_in_dim3A_105 = vector.broadcast %broadcast_in_dim3A_104 : i32 to vector<16x1xi32>
        %gather3A_106 = vector.shape_cast %broadcast_in_dim3A_105 : vector<16x1xi32> to vector<16xi32>
        %gather3A_107 = tpu.dynamic_gather %div3A[%gather3A_106] in [0] : vector<16xf32>, vector<16xi32> -> vector<16xf32>
        %get3A_108 = arith.index_cast %scan3A_47 : i32 to index
        %get3A_109 = arith.constant 32 : index
        %get3A_110 = tpu.vector_load %arg16[%get3A_108, %get3A_109] {strides = array<i32>} : memref<128x96xi32, #tpu.memory_space<vmem>>, vector<1x16xi32>,
        %get3A_111 = vector.shape_cast %get3A_110 : vector<1x16xi32> to vector<16xi32>
        %shift_left3A_112 = arith.constant 16 : i32
        %shift_left3A_113 = vector.broadcast %shift_left3A_112 : i32 to vector<16xi32>
        %shift_left3A_114 = arith.shli %get3A_111, %shift_left3A_113 : vector<16xi32>
        %bitcast_convert_type3A_115 = tpu.bitcast %shift_left3A_114 : vector<16xi32> -> vector<16xf32>
        %and3A_116 = arith.constant -65536 : i32
        %and3A_117 = vector.broadcast %and3A_116 : i32 to vector<16xi32>
        %and3A_118 = arith.andi %get3A_111, %and3A_117 : vector<16xi32>
        %bitcast_convert_type3A_119 = tpu.bitcast %and3A_118 : vector<16xi32> -> vector<16xf32>
        %mul3A_120 = arith.mulf %gather3A_107, %bitcast_convert_type3A_115 : vector<16xf32>
        %add3A_121 = arith.addf %add3A_101, %mul3A_120 : vector<16xf32>
        %mul3A_122 = arith.mulf %gather3A_107, %bitcast_convert_type3A_119 : vector<16xf32>
        %add3A_123 = arith.addf %add3A_103, %mul3A_122 : vector<16xf32>
        %broadcast_in_dim3A_124 = arith.constant 3 : i32
        %broadcast_in_dim3A_125 = vector.broadcast %broadcast_in_dim3A_124 : i32 to vector<16x1xi32>
        %gather3A_126 = vector.shape_cast %broadcast_in_dim3A_125 : vector<16x1xi32> to vector<16xi32>
        %gather3A_127 = tpu.dynamic_gather %div3A[%gather3A_126] in [0] : vector<16xf32>, vector<16xi32> -> vector<16xf32>
        %get3A_128 = arith.index_cast %scan3A_47 : i32 to index
        %get3A_129 = arith.constant 48 : index
        %get3A_130 = tpu.vector_load %arg16[%get3A_128, %get3A_129] {strides = array<i32>} : memref<128x96xi32, #tpu.memory_space<vmem>>, vector<1x16xi32>,
        %get3A_131 = vector.shape_cast %get3A_130 : vector<1x16xi32> to vector<16xi32>
        %shift_left3A_132 = arith.constant 16 : i32
        %shift_left3A_133 = vector.broadcast %shift_left3A_132 : i32 to vector<16xi32>
        %shift_left3A_134 = arith.shli %get3A_131, %shift_left3A_133 : vector<16xi32>
        %bitcast_convert_type3A_135 = tpu.bitcast %shift_left3A_134 : vector<16xi32> -> vector<16xf32>
        %and3A_136 = arith.constant -65536 : i32
        %and3A_137 = vector.broadcast %and3A_136 : i32 to vector<16xi32>
        %and3A_138 = arith.andi %get3A_131, %and3A_137 : vector<16xi32>
        %bitcast_convert_type3A_139 = tpu.bitcast %and3A_138 : vector<16xi32> -> vector<16xf32>
        %mul3A_140 = arith.mulf %gather3A_127, %bitcast_convert_type3A_135 : vector<16xf32>
        %add3A_141 = arith.addf %add3A_121, %mul3A_140 : vector<16xf32>
        %mul3A_142 = arith.mulf %gather3A_127, %bitcast_convert_type3A_139 : vector<16xf32>
        %add3A_143 = arith.addf %add3A_123, %mul3A_142 : vector<16xf32>
        %broadcast_in_dim3A_144 = arith.constant 4 : i32
        %broadcast_in_dim3A_145 = vector.broadcast %broadcast_in_dim3A_144 : i32 to vector<16x1xi32>
        %gather3A_146 = vector.shape_cast %broadcast_in_dim3A_145 : vector<16x1xi32> to vector<16xi32>
        %gather3A_147 = tpu.dynamic_gather %div3A[%gather3A_146] in [0] : vector<16xf32>, vector<16xi32> -> vector<16xf32>
        %get3A_148 = arith.index_cast %scan3A_47 : i32 to index
        %get3A_149 = arith.constant 64 : index
        %get3A_150 = tpu.vector_load %arg16[%get3A_148, %get3A_149] {strides = array<i32>} : memref<128x96xi32, #tpu.memory_space<vmem>>, vector<1x16xi32>,
        %get3A_151 = vector.shape_cast %get3A_150 : vector<1x16xi32> to vector<16xi32>
        %shift_left3A_152 = arith.constant 16 : i32
        %shift_left3A_153 = vector.broadcast %shift_left3A_152 : i32 to vector<16xi32>
        %shift_left3A_154 = arith.shli %get3A_151, %shift_left3A_153 : vector<16xi32>
        %bitcast_convert_type3A_155 = tpu.bitcast %shift_left3A_154 : vector<16xi32> -> vector<16xf32>
        %and3A_156 = arith.constant -65536 : i32
        %and3A_157 = vector.broadcast %and3A_156 : i32 to vector<16xi32>
        %and3A_158 = arith.andi %get3A_151, %and3A_157 : vector<16xi32>
        %bitcast_convert_type3A_159 = tpu.bitcast %and3A_158 : vector<16xi32> -> vector<16xf32>
        %mul3A_160 = arith.mulf %gather3A_147, %bitcast_convert_type3A_155 : vector<16xf32>
        %add3A_161 = arith.addf %add3A_141, %mul3A_160 : vector<16xf32>
        %mul3A_162 = arith.mulf %gather3A_147, %bitcast_convert_type3A_159 : vector<16xf32>
        %add3A_163 = arith.addf %add3A_143, %mul3A_162 : vector<16xf32>
        %broadcast_in_dim3A_164 = arith.constant 5 : i32
        %broadcast_in_dim3A_165 = vector.broadcast %broadcast_in_dim3A_164 : i32 to vector<16x1xi32>
        %gather3A_166 = vector.shape_cast %broadcast_in_dim3A_165 : vector<16x1xi32> to vector<16xi32>
        %gather3A_167 = tpu.dynamic_gather %div3A[%gather3A_166] in [0] : vector<16xf32>, vector<16xi32> -> vector<16xf32>
        %get3A_168 = arith.index_cast %scan3A_47 : i32 to index
        %get3A_169 = arith.constant 80 : index
        %get3A_170 = tpu.vector_load %arg16[%get3A_168, %get3A_169] {strides = array<i32>} : memref<128x96xi32, #tpu.memory_space<vmem>>, vector<1x16xi32>,
        %get3A_171 = vector.shape_cast %get3A_170 : vector<1x16xi32> to vector<16xi32>
        %shift_left3A_172 = arith.constant 16 : i32
        %shift_left3A_173 = vector.broadcast %shift_left3A_172 : i32 to vector<16xi32>
        %shift_left3A_174 = arith.shli %get3A_171, %shift_left3A_173 : vector<16xi32>
        %bitcast_convert_type3A_175 = tpu.bitcast %shift_left3A_174 : vector<16xi32> -> vector<16xf32>
        %and3A_176 = arith.constant -65536 : i32
        %and3A_177 = vector.broadcast %and3A_176 : i32 to vector<16xi32>
        %and3A_178 = arith.andi %get3A_171, %and3A_177 : vector<16xi32>
        %bitcast_convert_type3A_179 = tpu.bitcast %and3A_178 : vector<16xi32> -> vector<16xf32>
        %mul3A_180 = arith.mulf %gather3A_167, %bitcast_convert_type3A_175 : vector<16xf32>
        %add3A_181 = arith.addf %add3A_161, %mul3A_180 : vector<16xf32>
        %mul3A_182 = arith.mulf %gather3A_167, %bitcast_convert_type3A_179 : vector<16xf32>
        %add3A_183 = arith.addf %add3A_163, %mul3A_182 : vector<16xf32>
        %swap3A = arith.index_cast %scan3A_47 : i32 to index
        %swap3A_184 = arith.constant 0 : index
        %swap3A_185 = tpu.vector_load %arg17[%swap3A, %swap3A_184] {strides = array<i32>} : memref<128x32xf32, #tpu.memory_space<vmem>>, vector<1x16xf32>,
        %swap3A_186 = vector.shape_cast %swap3A_185 : vector<1x16xf32> to vector<16xf32>
        %swap3A_187 = vector.shape_cast %add3A_181 : vector<16xf32> to vector<1x16xf32>
        tpu.vector_store %arg17[%swap3A, %swap3A_184], %swap3A_187 {strides = array<i32>} : memref<128x32xf32, #tpu.memory_space<vmem>>, vector<1x16xf32>,
        %swap3A_188 = arith.index_cast %scan3A_47 : i32 to index
        %swap3A_189 = arith.constant 16 : index
        %swap3A_190 = tpu.vector_load %arg17[%swap3A_188, %swap3A_189] {strides = array<i32>} : memref<128x32xf32, #tpu.memory_space<vmem>>, vector<1x16xf32>,
        %swap3A_191 = vector.shape_cast %swap3A_190 : vector<1x16xf32> to vector<16xf32>
        %swap3A_192 = vector.shape_cast %add3A_183 : vector<16xf32> to vector<1x16xf32>
        tpu.vector_store %arg17[%swap3A_188, %swap3A_189], %swap3A_192 {strides = array<i32>} : memref<128x32xf32, #tpu.memory_space<vmem>>, vector<1x16xf32>,
      }
      %scan3A_46 = arith.constant 128 : i32
      "tpu.region"() ({
        %run_scoped3A_47 = tpu.sem_alloc : memref<!tpu.dma_semaphore, #tpu.memory_space<semaphore_mem>>
        %dma_start3A = arith.constant 0 : i32
        %dma_start3A_48 = arith.constant 0 : i32
        %dma_start3A_49 = tpu.memref_slice %arg11[%dma_start3A, %dma_start3A_48] : memref<10112x32xf32, #tpu.memory_space<vmem_shared>> -> memref<10112x32xf32, #tpu.memory_space<vmem_shared>>
        tpu.enqueue_indirect_dma source(%arg17 : memref<128x32xf32, #tpu.memory_space<vmem>>) target(%dma_start3A_49 : memref<10112x32xf32, #tpu.memory_space<vmem_shared>>) offsets(%arg13 : memref<128xi32, #tpu.memory_space<vmem>>) semaphore(%run_scoped3A_47 : memref<!tpu.dma_semaphore, #tpu.memory_space<semaphore_mem>>) {add = true}
        %dma_wait3A = arith.constant 0 : i32
        %dma_wait3A_50 = arith.constant 0 : i32
        %dma_wait3A_51 = tpu.memref_slice %arg11[%dma_wait3A, %dma_wait3A_50] : memref<10112x32xf32, #tpu.memory_space<vmem_shared>> -> memref<10112x32xf32, #tpu.memory_space<vmem_shared>>
        tpu.wait_indirect_dma semaphore(%run_scoped3A_47 : memref<!tpu.dma_semaphore, #tpu.memory_space<semaphore_mem>>) src(%arg17 : memref<128x32xf32, #tpu.memory_space<vmem>>) dst(%dma_wait3A_51 : memref<10112x32xf32, #tpu.memory_space<vmem_shared>>)
        tpu.yield
      }) : () -> ()
    }
    %scan3A_34 = arith.constant 81 : i32
    %barrier3A_35 = arith.constant 0 : index
    tpu.barrier barrier_id(%barrier3A_35)
    "tpu.region"() ({
      %run_scoped3A = tpu.sem_alloc : memref<!tpu.dma_semaphore, #tpu.memory_space<semaphore_mem>>
      %dma_start3A = arith.constant 0 : i32
      %dma_start3A_36 = tpu.memref_slice %arg7[%arg0, %mul3A_0, %dma_start3A] : memref<2x10112x32xf32, #tpu.memory_space<hbm>> -> memref<1x632x32xf32, #tpu.memory_space<hbm>>
      %dma_start3A_37 = tpu.memref_squeeze %dma_start3A_36 : memref<1x632x32xf32, #tpu.memory_space<hbm>> -> memref<632x32xf32, #tpu.memory_space<hbm>>
      %dma_start3A_38 = arith.constant 0 : i32
      %dma_start3A_39 = tpu.memref_slice %arg11[%mul3A_0, %dma_start3A_38] : memref<10112x32xf32, #tpu.memory_space<vmem_shared>> -> memref<632x32xf32, #tpu.memory_space<vmem_shared>>
      tpu.enqueue_dma source(%dma_start3A_39 : memref<632x32xf32, #tpu.memory_space<vmem_shared>>) target(%dma_start3A_37 : memref<632x32xf32, #tpu.memory_space<hbm>>) target_semaphore(%run_scoped3A : memref<!tpu.dma_semaphore, #tpu.memory_space<semaphore_mem>>)
      %dma_wait3A = arith.constant 0 : i32
      %dma_wait3A_40 = tpu.memref_slice %arg7[%arg0, %mul3A_0, %dma_wait3A] : memref<2x10112x32xf32, #tpu.memory_space<hbm>> -> memref<1x632x32xf32, #tpu.memory_space<hbm>>
      %dma_wait3A_41 = tpu.memref_squeeze %dma_wait3A_40 : memref<1x632x32xf32, #tpu.memory_space<hbm>> -> memref<632x32xf32, #tpu.memory_space<hbm>>
      %dma_wait3A_42 = arith.constant 0 : i32
      %dma_wait3A_43 = tpu.memref_slice %arg11[%mul3A_0, %dma_wait3A_42] : memref<10112x32xf32, #tpu.memory_space<vmem_shared>> -> memref<632x32xf32, #tpu.memory_space<vmem_shared>>
      tpu.wait_dma2 semaphore(%run_scoped3A : memref<!tpu.dma_semaphore, #tpu.memory_space<semaphore_mem>>) src(%dma_wait3A_43 : memref<632x32xf32, #tpu.memory_space<vmem_shared>>) dst(%dma_wait3A_41 : memref<632x32xf32, #tpu.memory_space<hbm>>)
      tpu.yield
    }) : () -> ()
    return
  }
}

module attributes {stable_mosaic.version = 14 : i64} {
  func.func @_front_body(%arg0: i32, %arg1: memref<1264x128xf32, #tpu.memory_space<vmem>>, %arg2: memref<128x64xf32, #tpu.memory_space<vmem>>, %arg3: memref<1x64xf32, #tpu.memory_space<vmem>>, %arg4: memref<64x16xf32, #tpu.memory_space<vmem>>, %arg5: memref<64x16xf32, #tpu.memory_space<vmem>>, %arg6: memref<64x192xf32, #tpu.memory_space<vmem>>, %arg7: memref<1264x16xf32, #tpu.memory_space<vmem>>, %arg8: memref<1264x16xf32, #tpu.memory_space<vmem>>, %arg9: memref<1264x192xbf16, #tpu.memory_space<vmem>>) attributes {dimension_semantics = [#tpu.dimension_semantics<arbitrary>], iteration_bounds = array<i64: 8>, scalar_prefetch = 0 : i64, scratch_operands = 0 : i64, tpu.core_type = #tpu.core_type<tc>, window_params = [{transform_indices = @transform_0, window_bounds = array<i64: 1264, 128>}, {pipeline_mode = #tpu.pipeline_mode<synchronous>, transform_indices = @transform_1, window_bounds = array<i64: 128, 64>}, {pipeline_mode = #tpu.pipeline_mode<synchronous>, transform_indices = @transform_2, window_bounds = array<i64: 1, 64>}, {pipeline_mode = #tpu.pipeline_mode<synchronous>, transform_indices = @transform_3, window_bounds = array<i64: 64, 16>}, {pipeline_mode = #tpu.pipeline_mode<synchronous>, transform_indices = @transform_4, window_bounds = array<i64: 64, 16>}, {pipeline_mode = #tpu.pipeline_mode<synchronous>, transform_indices = @transform_5, window_bounds = array<i64: 64, 192>}, {transform_indices = @transform_6, window_bounds = array<i64: 1264, 16>}, {transform_indices = @transform_7, window_bounds = array<i64: 1264, 16>}, {transform_indices = @transform_8, window_bounds = array<i64: 1264, 192>}]} {
    %get3A = arith.constant 0 : index
    %get3A_0 = arith.constant 0 : index
    %get3A_1 = vector.load %arg1[%get3A, %get3A_0] : memref<1264x128xf32, #tpu.memory_space<vmem>>, vector<1264x128xf32>
    %get3A_2 = arith.constant 0 : index
    %get3A_3 = arith.constant 0 : index
    %get3A_4 = vector.load %arg2[%get3A_2, %get3A_3] : memref<128x64xf32, #tpu.memory_space<vmem>>, vector<128x64xf32>
    %dot_general3A = arith.constant dense<0.000000e+00> : vector<1264x64xf32>
    %dot_general3A_5 = tpu.matmul %get3A_1, %get3A_4, %dot_general3A {dimension_numbers = #tpu.dot_dimension_numbers<[1], [0], [0], [1], [0, 0, 1, 1], [], []>, transpose_lhs_hint = false} : vector<1264x128xf32>, vector<128x64xf32>, vector<1264x64xf32> -> vector<1264x64xf32>
    %get3A_6 = arith.constant 0 : index
    %get3A_7 = arith.constant 0 : index
    %get3A_8 = vector.load %arg3[%get3A_6, %get3A_7] : memref<1x64xf32, #tpu.memory_space<vmem>>, vector<1x64xf32>
    %add3A = vector.broadcast %get3A_8 : vector<1x64xf32> to vector<1264x64xf32>
    %add3A_9 = arith.addf %dot_general3A_5, %add3A : vector<1264x64xf32>
    %logistic3A = arith.negf %add3A_9 : vector<1264x64xf32>
    %logistic3A_10 = math.exp %logistic3A : vector<1264x64xf32>
    %logistic3A_11 = arith.constant 1.000000e+00 : f32
    %logistic3A_12 = vector.broadcast %logistic3A_11 : f32 to vector<1264x64xf32>
    %logistic3A_13 = arith.addf %logistic3A_12, %logistic3A_10 : vector<1264x64xf32>
    %logistic3A_14 = arith.divf %logistic3A_12, %logistic3A_13 : vector<1264x64xf32>
    %get3A_15 = arith.constant 0 : index
    %get3A_16 = arith.constant 0 : index
    %get3A_17 = vector.load %arg4[%get3A_15, %get3A_16] : memref<64x16xf32, #tpu.memory_space<vmem>>, vector<64x16xf32>
    %dot_general3A_18 = arith.constant dense<0.000000e+00> : vector<1264x16xf32>
    %dot_general3A_19 = tpu.matmul %logistic3A_14, %get3A_17, %dot_general3A_18 {dimension_numbers = #tpu.dot_dimension_numbers<[1], [0], [0], [1], [0, 0, 1, 1], [], []>, transpose_lhs_hint = false} : vector<1264x64xf32>, vector<64x16xf32>, vector<1264x16xf32> -> vector<1264x16xf32>
    %swap3A = arith.constant 0 : index
    %swap3A_20 = arith.constant 0 : index
    %swap3A_21 = vector.load %arg7[%swap3A, %swap3A_20] : memref<1264x16xf32, #tpu.memory_space<vmem>>, vector<1264x16xf32>
    tpu.vector_store %arg7[%swap3A, %swap3A_20], %dot_general3A_19 {strides = array<i32>} : memref<1264x16xf32, #tpu.memory_space<vmem>>, vector<1264x16xf32>,
    %get3A_22 = arith.constant 0 : index
    %get3A_23 = arith.constant 0 : index
    %get3A_24 = vector.load %arg5[%get3A_22, %get3A_23] : memref<64x16xf32, #tpu.memory_space<vmem>>, vector<64x16xf32>
    %dot_general3A_25 = arith.constant dense<0.000000e+00> : vector<1264x16xf32>
    %dot_general3A_26 = tpu.matmul %logistic3A_14, %get3A_24, %dot_general3A_25 {dimension_numbers = #tpu.dot_dimension_numbers<[1], [0], [0], [1], [0, 0, 1, 1], [], []>, transpose_lhs_hint = false} : vector<1264x64xf32>, vector<64x16xf32>, vector<1264x16xf32> -> vector<1264x16xf32>
    %swap3A_27 = arith.constant 0 : index
    %swap3A_28 = arith.constant 0 : index
    %swap3A_29 = vector.load %arg8[%swap3A_27, %swap3A_28] : memref<1264x16xf32, #tpu.memory_space<vmem>>, vector<1264x16xf32>
    tpu.vector_store %arg8[%swap3A_27, %swap3A_28], %dot_general3A_26 {strides = array<i32>} : memref<1264x16xf32, #tpu.memory_space<vmem>>, vector<1264x16xf32>,
    %get3A_30 = arith.constant 0 : index
    %get3A_31 = arith.constant 0 : index
    %get3A_32 = vector.load %arg6[%get3A_30, %get3A_31] : memref<64x192xf32, #tpu.memory_space<vmem>>, vector<64x192xf32>
    %dot_general3A_33 = arith.constant dense<0.000000e+00> : vector<1264x192xf32>
    %dot_general3A_34 = tpu.matmul %logistic3A_14, %get3A_32, %dot_general3A_33 {dimension_numbers = #tpu.dot_dimension_numbers<[1], [0], [0], [1], [0, 0, 1, 1], [], []>, transpose_lhs_hint = false} : vector<1264x64xf32>, vector<64x192xf32>, vector<1264x192xf32> -> vector<1264x192xf32>
    %convert_element_type3A = arith.truncf %dot_general3A_34 : vector<1264x192xf32> to vector<1264x192xbf16>
    %swap3A_35 = arith.constant 0 : index
    %swap3A_36 = arith.constant 0 : index
    %swap3A_37 = vector.load %arg9[%swap3A_35, %swap3A_36] : memref<1264x192xbf16, #tpu.memory_space<vmem>>, vector<1264x192xbf16>
    tpu.vector_store %arg9[%swap3A_35, %swap3A_36], %convert_element_type3A {strides = array<i32>} : memref<1264x192xbf16, #tpu.memory_space<vmem>>, vector<1264x192xbf16>,
    return
  }
  func.func @transform_0(%arg0: i32) -> (i32, i32) {
    %c0_i32 = arith.constant 0 : i32
    %c0_i32_0 = arith.constant 0 : i32
    return %arg0, %c0_i32 : i32, i32
  }
  func.func @transform_1(%arg0: i32) -> (i32, i32) {
    %c0_i32 = arith.constant 0 : i32
    %c0_i32_0 = arith.constant 0 : i32
    %c0_i32_1 = arith.constant 0 : i32
    return %c0_i32, %c0_i32_0 : i32, i32
  }
  func.func @transform_2(%arg0: i32) -> (i32, i32) {
    %c0_i32 = arith.constant 0 : i32
    %c0_i32_0 = arith.constant 0 : i32
    %c0_i32_1 = arith.constant 0 : i32
    return %c0_i32, %c0_i32_0 : i32, i32
  }
  func.func @transform_3(%arg0: i32) -> (i32, i32) {
    %c0_i32 = arith.constant 0 : i32
    %c0_i32_0 = arith.constant 0 : i32
    %c0_i32_1 = arith.constant 0 : i32
    return %c0_i32, %c0_i32_0 : i32, i32
  }
  func.func @transform_4(%arg0: i32) -> (i32, i32) {
    %c0_i32 = arith.constant 0 : i32
    %c0_i32_0 = arith.constant 0 : i32
    %c0_i32_1 = arith.constant 0 : i32
    return %c0_i32, %c0_i32_0 : i32, i32
  }
  func.func @transform_5(%arg0: i32) -> (i32, i32) {
    %c0_i32 = arith.constant 0 : i32
    %c0_i32_0 = arith.constant 0 : i32
    %c0_i32_1 = arith.constant 0 : i32
    return %c0_i32, %c0_i32_0 : i32, i32
  }
  func.func @transform_6(%arg0: i32) -> (i32, i32) {
    %c0_i32 = arith.constant 0 : i32
    %c0_i32_0 = arith.constant 0 : i32
    return %arg0, %c0_i32 : i32, i32
  }
  func.func @transform_7(%arg0: i32) -> (i32, i32) {
    %c0_i32 = arith.constant 0 : i32
    %c0_i32_0 = arith.constant 0 : i32
    return %arg0, %c0_i32 : i32, i32
  }
  func.func @transform_8(%arg0: i32) -> (i32, i32) {
    %c0_i32 = arith.constant 0 : i32
    %c0_i32_0 = arith.constant 0 : i32
    return %arg0, %c0_i32 : i32, i32
  }
}

module attributes {stable_mosaic.version = 14 : i64} {
  func.func @_comb_body(%arg0: i32, %arg1: memref<2x1264x32xf32, #tpu.memory_space<vmem>>, %arg2: memref<1x32xf32, #tpu.memory_space<vmem>>, %arg3: memref<1264x32xf32, #tpu.memory_space<vmem>>) attributes {dimension_semantics = [#tpu.dimension_semantics<arbitrary>], iteration_bounds = array<i64: 8>, scalar_prefetch = 0 : i64, scratch_operands = 0 : i64, tpu.core_type = #tpu.core_type<tc>, window_params = [{transform_indices = @transform_0, window_bounds = array<i64: 2, 1264, 32>}, {pipeline_mode = #tpu.pipeline_mode<synchronous>, transform_indices = @transform_1, window_bounds = array<i64: 1, 32>}, {transform_indices = @transform_2, window_bounds = array<i64: 1264, 32>}]} {
    %get3A = arith.constant 0 : index
    %get3A_0 = arith.constant 0 : index
    %get3A_1 = arith.constant 0 : index
    %get3A_2 = vector.load %arg1[%get3A, %get3A_0, %get3A_1] : memref<2x1264x32xf32, #tpu.memory_space<vmem>>, vector<1x1264x32xf32>
    %get3A_3 = vector.shape_cast %get3A_2 : vector<1x1264x32xf32> to vector<1264x32xf32>
    %get3A_4 = arith.constant 1 : index
    %get3A_5 = arith.constant 0 : index
    %get3A_6 = arith.constant 0 : index
    %get3A_7 = vector.load %arg1[%get3A_4, %get3A_5, %get3A_6] : memref<2x1264x32xf32, #tpu.memory_space<vmem>>, vector<1x1264x32xf32>
    %get3A_8 = vector.shape_cast %get3A_7 : vector<1x1264x32xf32> to vector<1264x32xf32>
    %add3A = arith.addf %get3A_3, %get3A_8 : vector<1264x32xf32>
    %mul3A = arith.constant 0.166666672 : f32
    %mul3A_9 = vector.broadcast %mul3A : f32 to vector<1264x32xf32>
    %mul3A_10 = arith.mulf %add3A, %mul3A_9 : vector<1264x32xf32>
    %get3A_11 = arith.constant 0 : index
    %get3A_12 = arith.constant 0 : index
    %get3A_13 = vector.load %arg2[%get3A_11, %get3A_12] : memref<1x32xf32, #tpu.memory_space<vmem>>, vector<1x32xf32>
    %add3A_14 = vector.broadcast %get3A_13 : vector<1x32xf32> to vector<1264x32xf32>
    %add3A_15 = arith.addf %mul3A_10, %add3A_14 : vector<1264x32xf32>
    %logistic3A = arith.negf %add3A_15 : vector<1264x32xf32>
    %logistic3A_16 = math.exp %logistic3A : vector<1264x32xf32>
    %logistic3A_17 = arith.constant 1.000000e+00 : f32
    %logistic3A_18 = vector.broadcast %logistic3A_17 : f32 to vector<1264x32xf32>
    %logistic3A_19 = arith.addf %logistic3A_18, %logistic3A_16 : vector<1264x32xf32>
    %logistic3A_20 = arith.divf %logistic3A_18, %logistic3A_19 : vector<1264x32xf32>
    %swap3A = arith.constant 0 : index
    %swap3A_21 = arith.constant 0 : index
    %swap3A_22 = vector.load %arg3[%swap3A, %swap3A_21] : memref<1264x32xf32, #tpu.memory_space<vmem>>, vector<1264x32xf32>
    tpu.vector_store %arg3[%swap3A, %swap3A_21], %logistic3A_20 {strides = array<i32>} : memref<1264x32xf32, #tpu.memory_space<vmem>>, vector<1264x32xf32>,
    return
  }
  func.func @transform_0(%arg0: i32) -> (i32, i32, i32) {
    %c0_i32 = arith.constant 0 : i32
    %c0_i32_0 = arith.constant 0 : i32
    %c0_i32_1 = arith.constant 0 : i32
    return %c0_i32, %arg0, %c0_i32_0 : i32, i32, i32
  }
  func.func @transform_1(%arg0: i32) -> (i32, i32) {
    %c0_i32 = arith.constant 0 : i32
    %c0_i32_0 = arith.constant 0 : i32
    %c0_i32_1 = arith.constant 0 : i32
    return %c0_i32, %c0_i32_0 : i32, i32
  }
  func.func @transform_2(%arg0: i32) -> (i32, i32) {
    %c0_i32 = arith.constant 0 : i32
    %c0_i32_0 = arith.constant 0 : i32
    return %arg0, %c0_i32 : i32, i32
  }
}

</mosaic_0001>

<sc_bundles>
// kernel: kernel.5.cloned.1.call-start
scs
__scs_entry_jumppad:
0x0: {  	(pc) =	sbr.rel $0x88, $3  }
0x1: {  	(tag) =	ssettag $0x0;
	lr =	simm.s32 $0x1  }
0x2: {  	[smem:$0x3F97] =	sst lr;
	_ =	strace $0xD0000000  }
0x3: {  	_ = 	snop  }
0x4: {  	_ = 	snop  }
0x5: {  	_ = 	snop  }
0x6: {  	_ = 	snop  }
0x7: {  	_ = 	snop  }
__scs_overlays_trampoline_lowered:
0x8: {  	[smem:$0x3FA6] =	sst s0  }
0x9: {  	[smem:$0x3FA7] =	sst s1  }
0xa: {  	[smem:$0x3FA8] =	sst s2  }
0xb: {  	[smem:$0x3FA9] =	sst s3  }
0xc: {  	[smem:$0x3FAA] =	sst s4  }
0xd: {  	[smem:$0x3FAB] =	sst s5  }
0xe: {  	[smem:$0x3FAC] =	sst s6  }
0xf: {  	[smem:$0x3FAD] =	sst s7  }
0x10: {  	[smem:$0x3FAE] =	sst s8  }
0x11: {  	[smem:$0x3FAF] =	sst s9;
	s0 =	simm.s32 @!p0 $0x0  }
0x12: {  	s1 =	sld [smem:$0x3F95];
	s0 =	simm.s32 @p0 $0x1  }
0x13: {  	[smem:$0x3FB0] =	sst s0;
	s0 =	simm.s32 @!p1 $0x0  }
0x14: {  	s2 =	sld [smem:$0x3F94];
	s0 =	simm.s32 @p1 $0x1  }
0x15: {  	[smem:$0x3FB1] =	sst s0;
	s0 =	simm.s32 @!p2 $0x0  }
0x16: {  	s3 =	sld [smem:$0x3FDB];
	s0 =	simm.s32 @p2 $0x1  }
0x17: {  	s4 =	simm.s32 $0x1BF5;
	[smem:$0x3FB3] =	sst s0  }
0x18: {  	s0 =	sld [smem:$0x3F96];
	_ =	swait.ge [sflag:s4], $0x0  }
0x19: {  	s7 =	sld [smem:$0x3F97]  }
0x1a: {  	s8 =	sadd.s32 $0xFFFFE003, lr  }
0x1b: {  	s9 =	sadd.s32 $0xFFFFFEF7, lr;
	s5 =	simm.s32 $0xFFFFFFFF;
	p2 =	slt.u32 s8, $0xFFFFF086  }
0x1c: {  	p1 =	slt.u32 s9, $0xF7A;
	s5 =	simm.s32 @!p2 $0x0  }
0x1d: {  	s5 =	simm.s32 @p1 $0x1;
	p0 =	seq.s32 s7, s2  }
0x1e: {  	s7 =	smul.u32 @!p0 $0xF7A, s2;
	p2 =	seq.s32 @!p0 s5, $0x0  }
0x1f: {  	s9 =	smul.u32 $0xF7A, s1;
	s8 =	simm.s32 @!p0 $0x1BF5;
	p2 =	por !p2, p0  }
0x20: {  	[sflag:s8] =	ssyncset.s32 @!p0 $0xFFFFF086;
	s6 =	sadd.s32 @!p0 s3, s7;
	s7 =	simm.s32 @!p0 $0x108  }
0x21: {  	s3 =	sadd.s32 s3, s9;
	s6 =	sadd.s32 @!p0 $0x88, s6;
	s7 =	simm.s32 @p2 $0x1082  }
0x22: {  	[simem:s7], [sflag:s8] =	dma.local @!p0 [hbm:s6], $0xF7A  }
0x23: {  	s9 =	sor.u32 $0xD0000000, s2;
	s6 =	simm.s32 $0x108;
	_ =	swait.ge @!p0 [sflag:s8], $0x0  }
0x24: {  	s3 =	sadd.s32 $0x88, s3;
	s6 =	simm.s32 @!p1 $0x1082;
	[sflag:s4] =	ssyncset.s32 $0xFFFFF086  }
0x25: {  	[simem:s6], [sflag:s4] =	dma.local [hbm:s3], $0xF7A  }
0x26: {  	[smem:$0x3F97] =	sst s1;
	(tag) =	ssettag s2;
	_ =	strace s9  }
0x27: {  	s1 =	sld [smem:$0x3FA7]  }
0x28: {  	s2 =	sld [smem:$0x3FA8]  }
0x29: {  	s4 =	sld [smem:$0x3FAA]  }
0x2a: {  	p0 =	seq.s32 s5, $0x0;
	s5 =	sld [smem:$0x3FAB]  }
0x2b: {  	s6 =	sld [smem:$0x3FAC]  }
0x2c: {  	s7 =	sld [smem:$0x3FAD]  }
0x2d: {  	s3 =	simm.s32 $0x108;
	s8 =	sld [smem:$0x3FAE]  }
0x2e: {  	s3 =	simm.s32 @!p0 $0x1082;
	s9 =	sld [smem:$0x3FAF]  }
0x2f: {  	lr =	sadd.s32 s0, s3;
	s0 =	sld [smem:$0x3FA6]  }
0x30: {  	s3 =	sld [smem:$0x3FA9]  }
0x31: {  	[smem:$0x3FB2] =	sst s10  }
0x32: {  	s10 =	sld [smem:$0x3FB0];
	_ =	sdelay $0x3  }
0x33: {  	p0 =	seq.s32 s10, $0x1;
	s10 =	sld [smem:$0x3FB2];
	_ =	sdelay $0x3  }
0x34: {  	[smem:$0x3FB2] =	sst s10  }
0x35: {  	s10 =	sld [smem:$0x3FB1];
	_ =	sdelay $0x3  }
0x36: {  	p1 =	seq.s32 s10, $0x1;
	s10 =	sld [smem:$0x3FB2];
	_ =	sdelay $0x3  }
0x37: {  	[smem:$0x3FB2] =	sst s10  }
0x38: {  	s10 =	sld [smem:$0x3FB3]  }
0x39: {  	_ = 	snop;
	(pc) =	sbr.ind lr, $3  }
0x3a: {  	_ = 	snop  }
0x3b: {  	_ = 	snop  }
0x3c: {  	p2 =	seq.s32 s10, $0x1;
	s10 =	sld [smem:$0x3FB2]  }
0x3d: {  	_ =	shalt  }
0x3e: {  	_ =	shalt  }
0x3f: {  	_ =	shalt  }
0x40: {  	_ =	shalt  }
0x41: {  	_ =	shalt  }
0x42: {  	_ =	shalt  }
0x43: {  	_ =	shalt  }
0x44: {  	_ =	shalt  }
0x45: {  	_ =	shalt  }
0x46: {  	_ =	shalt  }
0x47: {  	_ =	shalt  }
0x48: {  	_ =	shalt  }
0x49: {  	_ =	shalt  }
0x4a: {  	_ =	shalt  }
0x4b: {  	_ =	shalt  }
0x4c: {  	_ =	shalt  }
0x4d: {  	_ =	shalt  }
0x4e: {  	_ =	shalt  }
0x4f: {  	_ =	shalt  }
0x50: {  	_ =	shalt  }
0x51: {  	_ =	shalt  }
0x52: {  	_ =	shalt  }
0x53: {  	_ =	shalt  }
0x54: {  	_ =	shalt  }
0x55: {  	_ =	shalt  }
0x56: {  	_ =	shalt  }
0x57: {  	_ =	shalt  }
0x58: {  	_ =	shalt  }
0x59: {  	_ =	shalt  }
0x5a: {  	_ =	shalt  }
0x5b: {  	_ =	shalt  }
0x5c: {  	_ =	shalt  }
0x5d: {  	_ =	shalt  }
0x5e: {  	_ =	shalt  }
0x5f: {  	_ =	shalt  }
0x60: {  	_ =	shalt  }
0x61: {  	_ =	shalt  }
0x62: {  	_ =	shalt  }
0x63: {  	_ =	shalt  }
0x64: {  	_ =	shalt  }
0x65: {  	_ =	shalt  }
0x66: {  	_ =	shalt  }
0x67: {  	_ =	shalt  }
0x68: {  	_ =	shalt  }
0x69: {  	_ =	shalt  }
0x6a: {  	_ =	shalt  }
0x6b: {  	_ =	shalt  }
0x6c: {  	_ =	shalt  }
0x6d: {  	_ =	shalt  }
0x6e: {  	_ =	shalt  }
0x6f: {  	_ =	shalt  }
0x70: {  	_ =	shalt  }
0x71: {  	_ =	shalt  }
0x72: {  	_ =	shalt  }
0x73: {  	_ =	shalt  }
0x74: {  	_ =	shalt  }
0x75: {  	_ =	shalt  }
0x76: {  	_ =	shalt  }
0x77: {  	_ =	shalt  }
0x78: {  	_ =	shalt  }
0x79: {  	_ =	shalt  }
0x7a: {  	_ =	shalt  }
0x7b: {  	_ =	shalt  }
0x7c: {  	_ =	shalt  }
0x7d: {  	_ =	shalt  }
0x7e: {  	_ =	shalt  }
0x7f: {  	_ =	shalt  }
0x80: {  	_ =	shalt  }
0x81: {  	_ =	shalt  }
0x82: {  	_ =	shalt  }
0x83: {  	_ =	shalt  }
0x84: {  	_ =	shalt  }
0x85: {  	_ =	shalt  }
0x86: {  	_ =	shalt  }
0x87: {  	_ =	shalt  }
.Lfunc_end0:
.L_simem_size_0:
called_computation_lowered:
.L_overlay_start_0:
0x88: {  	s2 =	sld [smem:$0x3FD9]  }
0x89: {  	s3 =	sld [smem:$0x3FFE];
	_ =	sdelay $0x1  }
0x8a: {  	s1 =	srdreg.scid  }
0x8b: {  	s0 =	sand.u32 $0x1, s1  }
0x8c: {  	s17 =	sshll.u32 s0, $0xA;
	s2 =	sadd.s32 s3, s2  }
0x8d: {  	s2 =	sadd.s32 s2, s17  }
0x8e: {  	[smem:$0x3FBE] =	sst s2  }
0x8f: {  	_ = 	snop  }
0x90: {  	s2 =	sld [smem:$0x3FD0];
	(tm) =	ssettm $0x1  }
0x91: {  	s18 =	sld [smem:$0x3FFB];
	_ =	sdelay $0x3  }
0x92: {  	_ =	strace s18  }
0x93: {  	s3 =	sld [smem:$0x3FFC];
	_ =	sdelay $0x3  }
0x94: {  	_ =	strace s3  }
0x95: {  	s3 =	sld [smem:$0x3FFD];
	_ =	sdelay $0x3  }
0x96: {  	_ =	strace s3  }
0x97: {  	_ =	strace $0x8FFFFFFF  }
0x98: {  	s19 =	sld [smem:$0x3FDB];
	_ =	sdelay $0x1  }
0x99: {  	s4 =	simm.s32 $_scs_section_size  }
0x9a: {  	s5 =	simm.s32 $_size__tile_overlayer_lowered;
	s6 =	simm.s32 $_tile_overlayer_lowered  }
0x9b: {  	s22 =	simm.s32 $0x1BFF;
	s21 =	sshll.u32 s6, $0x1;
	s3 =	sadd.s32 s4, s19  }
0x9c: {  	s7 =	simm.s32 $0x0;
	s20 =	sshll.u32 s5, $0x1;
	s5 =	sadd.s32 s21, s3  }
0x9d: {  	[timem:s7], [sflag:s22] =	dma.local [hbm:s5], s20  }
0x9e: {  	_ =	swait.ge [sflag:s22], s20  }
0x9f: {  	s4 =	ssub.s32 $0x0, s20;
	[sflag:s22] =	ssyncset.done $0x0  }
0xa0: {  	[sflag:s22] =	ssyncadd.s32 s4;
	_ =	sdelay $0x1  }
0xa1: {  	s23 =	simm.s32 $0x1B8B  }
0xa2: {  	_ =	swait.ge [sflag:s23], $0x1  }
0xa3: {  	[sflag:s23] =	ssyncset.done $0x0  }
0xa4: {  	s25 =	simm.s32 $0x1B8E;
	s24 =	sld [smem:$0x3FFE];
	[sflag:s23] =	ssyncadd.s32 $0xFFFFFFFF  }
0xa5: {  	s26 =	simm.s32 $execute0_lowered;
	[smem:$0x3FD2] =	sst s25  }
0xa6: {  	s5 =	sshll.u32 s26, $0x1;
	_ =	strace $0x80000046;
	[dreg:$0x1] =	wrdreg $0xFFFFFFFF  }
0xa7: {  	s28 =	simm.s32 $_size_execute0_lowered;
	s3 =	sadd.s32 s3, s5;
	[dreg:$0x0] =	wrdreg $0x0  }
0xa8: {  	s5 =	sshll.u32 s28, $0x1;
	[dreg:$0x2] =	wrdreg s3  }
0xa9: {  	[dreg:$0x3] =	wrdreg s5  }
0xaa: {  	[dreg:$0x4] =	wrdreg $0xC0  }
0xab: {  	_ =	task [dreg:s7], $0x5FFFF  }
0xac: {  	[dreg:$0x1] =	wrdreg $0xFFFFFFFF  }
0xad: {  	[dreg:$0x0] =	wrdreg $0x60  }
0xae: {  	[dreg:$0x2] =	wrdreg s24  }
0xaf: {  	[dreg:$0x3] =	wrdreg s2  }
0xb0: {  	[dreg:$0x4] =	wrdreg $0x0  }
0xb1: {  	[dreg:$0x5] =	wrdreg $0x27800  }
0xb2: {  	[dreg:$0x6] =	wrdreg $0x4F000  }
0xb3: {  	[dreg:$0x7] =	wrdreg $0x13C000  }
0xb4: {  	[dreg:$0x8] =	wrdreg $0x9  }
0xb5: {  	_ =	task.clear_ibuf [dreg:s7], $0x9FFFF;
	_ =	strace $0x90000046  }
0xb6: {  	s29 =	simm.s32 $0x9;
	_ =	strace $0x80000048  }
0xb7: {  	_ =	swait.ge [sflag:s29], $0x1  }
0xb8: {  	[sflag:s29] =	ssyncadd.s32 $0xFFFFFFFF  }
0xb9: {  	_ =	strace $0x90000048  }
0xba: {  	_ =	sfence  }
0xbb: {  	s30 =	sld [smem:$0x0];
	_ =	sdelay $0x2  }
0xbc: {  	s31 =	sshll.u32 s1, $0xD;
	s1 =	sshrl.u32 s1, $0x2  }
0xbd: {  	s3 =	sand.u32 $0x4000, s31;
	s1 =	sadd.s32 s1, s30  }
0xbe: {  	s0 =	sor.u32 s3, s0;
	s1 =	sshll.u32 s1, $0x11  }
0xbf: {  	s0 =	sor.u32 s1, s0  }
0xc0: {  	s0 =	sadd.s32 $0x8F2B, s0  }
0xc1: {  	[sflag:s0] =	ssyncadd.remote.s32 $0x1  }
0xc2: {  	_ =	sfence.sel $0xFFFF  }
0xc3: {  	[dreg:$0x0] =	wrdreg $0xFFFFFFFF;
	(pc) =	sbr.abs _section_cstart, $3  }
0xc4: {  	[dreg:$0x1] =	wrdreg $0xFFFFFFFF  }
0xc5: {  	_ =	task.clear_ibuf [dreg:s7], $0x2FFFF;
	_ =	strace $0x9FFFFFFF  }
0xc6: {  	(tm) =	ssettm $0x7FFFFFFF  }
0xc7: {  	_ =	shalt  }
tec
execute0_lowered:
.L_overlay_start_1:
0x0: {  	(tag) =	ssettag $0x1  }
0x1: {  	s0 =	rddreg [dreg:$0x0]  }
0x2: {  	s2 =	rddreg [dreg:$0x1]  }
0x3: {  	s1 =	rddreg [dreg:$0x2]  }
0x4: {  	s3 =	rddreg [dreg:$0x3]  }
0x5: {  	s4 =	rddreg [dreg:$0x4]  }
0x6: {  	s5 =	rddreg [dreg:$0x5]  }
0x7: {  	s18 =	stileid.u32;
	s7 =	srdreg.scid;
	s6 =	simm.s32 $0x0  }
0x8: {  	s22 =	simm.s32 $0x18B00;
	s28 =	simm.s32 $0x19C00;
	s8 =	smul.u32 $0x2780, s18  }
0x9: {  	s29 =	simm.s32 $0x1CC00;
	s30 =	simm.s32 $0x0;
	s12 =	smul.u32 $0x4F00, s18  }
0xa: {  	s10 =	sand.u32 $0x1, s7;
	[smem:$0x7FF] =	sst s6;
	s13 =	smul.u32 $0xED00, s18  }
0xb: {  	s7 =	sadd.s32 $0xA00, s0;
	s24 =	sshll.u32 s18, $0x6;
	s9 =	smul.u32 $0x4F000, s10  }
0xc: {  	_ =	strace $0x80000047;
	s15 =	ssub.s32 $0x2, s10;
	s10 =	sshll.u32 s10, $0x4  }
0xd: {  	s11 =	sshrl.u32 s8, $0x3;
	s14 =	sshrl.u32 s13, $0x3;
	s23 =	sshrl.u32 s15, $0x1  }
0xe: {  	s17 =	sadd.s32 s8, s1;
	s8 =	sadd.s32 s8, s3;
	s20 =	sadd.s32 s13, s4  }
0xf: {  	s21 =	sadd.s32 s12, s5;
	s13 =	smul.u32 $0x5100, s18;
	s31 =	sor.u32 s18, s10  }
0x10: {  	s18 =	simm.s32 $0x1;
	s11 =	sadd.s32 s11, s0;
	s9 =	sadd.s32 s12, s9  }
0x11: {  	s14 =	sadd.s32 s14, s0;
	s16 =	ssub.s32 s15, s23;
	s12 =	sshrl.u32 s12, $0x3  }
0x12: {  	v0 =	vimm.s32 $0xFEDCBA98;
	s17 =	sshrl.u32 s17, $0x3;
	s19 =	sshrl.u32 s8, $0x3;
	s20 =	sshrl.u32 s20, $0x3  }
0x13: {  	v1 =	vimm.s32 $0x76543210;
	v0 =	vunpack.c.l.s4.s8 v0;
	s21 =	sshrl.u32 s21, $0x3;
	s23 =	simm.s32 $0x18B80;
	s9 =	sshrl.u32 s9, $0x3  }
0x14: {  	v1 =	vunpack.c.l.s4.s8 v1;
	s25 =	sadd.s32 $0x14E00, s11;
	s11 =	sadd.s32 $0x19E00, s11;
	s26 =	sadd.s32 $0x1EE00, s14  }
0x15: {  	vm0 =	vcmask $0x1F38;
	v0 =	vunpack.c.0.s8.s32 v0;
	s12 =	sadd.s32 s2, s12;
	s14 =	smul.u32 $0x2880, s31;
	[dreg:$0x7] =	wrdreg s25  }
0x16: {  	v2 =	vimm.s32 $0x1;
	v3 =	vimm.s32 $0x2;
	v1 =	vunpack.c.0.s8.s32 v1;
	s16 =	smax.u32 s16, $0x1;
	s0 =	sadd.s32 s9, s0;
	[dreg:$0x8] =	wrdreg s11  }
0x17: {  	v4 =	vimm.s32 $0x3;
	v5 =	vimm.s32 $0x4;
	v0 =	vand.u32 $0xF, v0;
	s9 =	sor.u32 $0x1C01, s24;
	[dreg:$0x9] =	wrdreg s26;
	s24 =	simm.s32 $0x80  }
0x18: {  	v6 =	vimm.s32 $0x5;
	v0 =	vcombine.low v0, v1;
	s25 =	simm.s32 $0x18C00;
	v1 =	vimm.s32 $0x0;
	s26 =	simm.s32 $0x19400;
	s15 =	sadd.s32 $0x3C800, s0  }
.LBB2_1:
0x19: {  	s0 =	rddreg [dreg:$0x7]  }
0x1a: {  	[spmem:s17], [sflag:s9] =	dma.local [hbm:s0], $0x4F0  }
0x1b: {  	_ =	swait.ge [sflag:s18], $0x4F0  }
0x1c: {  	[sflag:s18] =	ssyncset.done $0x0  }
0x1d: {  	s11 =	rddreg [dreg:$0x8];
	[sflag:s18] =	ssyncadd.s32 $0xFFFFFB10  }
0x1e: {  	[spmem:s19], [sflag:s9] =	dma.local [hbm:s11], $0x4F0  }
0x1f: {  	_ =	swait.ge [sflag:s18], $0x4F0  }
0x20: {  	[sflag:s18] =	ssyncset.done $0x0  }
0x21: {  	s31 =	rddreg [dreg:$0x9];
	[sflag:s18] =	ssyncadd.s32 $0xFFFFFB10  }
0x22: {  	[spmem:s20], [sflag:s9] =	dma.local [hbm:s31], $0x1DA0  }
0x23: {  	_ =	swait.ge [sflag:s18], $0x1DA0  }
0x24: {  	[sflag:s18] =	ssyncset.done $0x0  }
0x25: {  	[sflag:s18] =	ssyncadd.s32 $0xFFFFE260  }
0x26: {  	[spmem:s21], [sflag:s9] =	dma.local [hbm:s12], $0x9E0  }
0x27: {  	_ =	swait.ge [sflag:s18], $0x9E0  }
0x28: {  	[sflag:s18] =	ssyncset.done $0x0  }
0x29: {  	[sflag:s18] =	ssyncadd.s32 $0xFFFFF620  }
0x2a: {  	s0 =	simm.s32 $0x0;
	[bflag:$0x0] =	sbarrier.arrive $0xFFFF  }
.LBB2_2:
0x2b: {  	s2 =	sshll.u32 s0, $0x7  }
0x2c: {  	s2 =	sadd.s32 s13, s2  }
0x2d: {  	s2 =	sshrl.u32 s2, $0x3  }
0x2e: {  	s8 =	simm.s32 $0x0;
	s2 =	sadd.s32 s7, s2  }
0x2f: {  	[tilespmem:s22], [sflag:$0x1] =	stream.linear.gather [hbm4b:s2+s8], $0x80, $0x38;
	[tilespmem:$0x1DC00] =	vst v63  }
0x30: {  	_ =	swait.ge [sflag:s18], $0x80  }
0x31: {  	[sflag:s18] =	ssyncset.done $0x0  }
0x32: {  	s2 =	sadd.s32 $0xA200, s2;
	[sflag:s18] =	ssyncadd.s32 $0xFFFFFF80  }
0x33: {  	[tilespmem:s23], [sflag:$0x1] =	stream.linear.gather [hbm4b:s2+s8], $0x80, $0x38;
	[tilespmem:$0x1DC00] =	vst v63  }
0x34: {  	_ =	swait.ge [sflag:s18], $0x80  }
0x35: {  	[sflag:s18] =	ssyncset.done $0x0  }
0x36: {  	[sflag:s18] =	ssyncadd.s32 $0xFFFFFF80  }
0x37: {  	[tilespmem:s25], [sflag:$0x1] =	stream.indirect.gather [spmem:s1], $0x10, s22, s24, $0xb8;
	[tilespmem:$0x1DC00] =	vst v63  }
0x38: {  	_ =	swait.ge [sflag:s18], $0x800  }
0x39: {  	[sflag:s18] =	ssyncset.done $0x0  }
0x3a: {  	[sflag:s18] =	ssyncadd.s32 $0xFFFFF800  }
0x3b: {  	[tilespmem:s26], [sflag:$0x1] =	stream.indirect.gather [spmem:s3], $0x10, s23, s24, $0xb8;
	[tilespmem:$0x1DC00] =	vst v63  }
0x3c: {  	_ =	swait.ge [sflag:s18], $0x800  }
0x3d: {  	[sflag:s18] =	ssyncset.done $0x0  }
0x3e: {  	s2 =	simm.s32 $0x0;
	[sflag:s18] =	ssyncadd.s32 $0xFFFFF800  }
0x3f: {  	s8 =	simm.s32 $0x40;
	v7 =	vld [tilespmem:s2+$0x19400]  }
.LBB2_3:
0x40: {  	p0 =	sne.s32 s8, $0x1FC0;
	v8 =	vld [tilespmem:s2+$0x18C00];
	_ =	sdelay $0x4  }
0x41: {  	v7 =	vadd.f32 v7, v8;
	_ =	sdelay $0x1  }
0x42: {  	v8 =	vmul.f32 $2.000000030e-01, v7  }
0x43: {  	vm1 =	vge.f32 v7, $0.0e+00  }
0x44: {  	v7 =	vsel vm1, v7, v8  }
0x45: {  	v7 =	vmul.f32 $1.442695020e+00, v7;
	_ =	sdelay $0x1  }
0x46: {  	(erf) = vpow2.f32 v7;
	_ =	sdelay $0x8  }
.Ltmp0:
0x47: {  	v7 =	vpop (erf);
	(pc) =	sbr.rel @p0 .LBB2_3-.Ltmp0, $3  }
0x48: {  	v7 =	vperm.xlane v7, v0;
	_ =	sdelay $0x1  }
0x49: {  	s10 =	sshra.s32 s8, $0x2;
	v8 =	vsel vm0, $0x0, v7  }
0x4a: {  	s8 =	sadd.s32 $0x40, s8;
	v7 =	vld [tilespmem:s10+$0x19400];
	[tilespmem:s2+$0x18C00] =	vst v8;
	s2 =	smov.u32 s10  }
0x4b: {  	v8 =	vld [tilespmem:s2+$0x18C00];
	_ =	sdelay $0x4  }
0x4c: {  	v7 =	vadd.f32 v7, v8;
	_ =	sdelay $0x1  }
0x4d: {  	v8 =	vmul.f32 $2.000000030e-01, v7  }
0x4e: {  	vm1 =	vge.f32 v7, $0.0e+00  }
0x4f: {  	v7 =	vsel vm1, v7, v8  }
0x50: {  	v7 =	vmul.f32 $1.442695020e+00, v7;
	_ =	sdelay $0x1  }
0x51: {  	(erf) = vpow2.f32 v7;
	_ =	sdelay $0x8  }
0x52: {  	v7 =	vpop (erf)  }
0x53: {  	v7 =	vperm.xlane v7, v0  }
0x54: {  	s0 =	sadd.s32 $0x1, s0  }
0x55: {  	p0 =	sne.s32 s0, $0xA2;
	v7 =	vsel vm0, $0x0, v7  }
.Ltmp1:
0x56: {  	[tilespmem:s2+$0x18C00] =	vst v7;
	(pc) =	sbr.rel @p0 .LBB2_2-.Ltmp1, $4  }
0x57: {  	[spmem:s3] =	stream.indirect.scatter.add.f32 [tilespmem:s25], [sflag:$0x1], $0x10, s23, s24, $0xb8;
	[tilespmem:$0x1DC00] =	vst v63  }
0x58: {  	_ =	swait.ge [sflag:s18], $0x800  }
0x59: {  	[sflag:s18] =	ssyncset.done $0x0  }
0x5a: {  	[sflag:s18] =	ssyncadd.s32 $0xFFFFF800  }
0x5b: {  	[bflag:$0x0] =	sbarrier.arrive $0xFFFF;
	s31 =	simm.s32 $0x0  }
.LBB2_6:
0x5c: {  	s0 =	sshll.u32 s31, $0x7  }
0x5d: {  	s0 =	sadd.s32 s14, s0  }
0x5e: {  	s0 =	sshrl.u32 s0, $0x3  }
0x5f: {  	s0 =	sadd.s32 s7, s0  }
0x60: {  	[tilespmem:s22], [sflag:$0x1] =	stream.linear.gather [hbm4b:s0+s30], $0x80, $0x38;
	[tilespmem:$0x1DC00] =	vst v63  }
0x61: {  	_ =	swait.ge [sflag:s18], $0x80  }
0x62: {  	[sflag:s18] =	ssyncset.done $0x0  }
0x63: {  	s0 =	sadd.s32 $0xA200, s0;
	[sflag:s18] =	ssyncadd.s32 $0xFFFFFF80  }
0x64: {  	[tilespmem:s23], [sflag:$0x1] =	stream.linear.gather [hbm4b:s0+s30], $0x80, $0x38;
	[tilespmem:$0x1DC00] =	vst v63  }
0x65: {  	_ =	swait.ge [sflag:s18], $0x80  }
0x66: {  	[sflag:s18] =	ssyncset.done $0x0  }
0x67: {  	[sflag:s18] =	ssyncadd.s32 $0xFFFFFF80  }
0x68: {  	[tilespmem:s25], [sflag:$0x1] =	stream.indirect.gather [spmem:s1], $0x10, s22, s24, $0xb8;
	[tilespmem:$0x1DC00] =	vst v63  }
0x69: {  	_ =	swait.ge [sflag:s18], $0x800  }
0x6a: {  	[sflag:s18] =	ssyncset.done $0x0  }
0x6b: {  	[sflag:s18] =	ssyncadd.s32 $0xFFFFF800  }
0x6c: {  	[tilespmem:s26], [sflag:$0x1] =	stream.indirect.gather [spmem:s3], $0x10, s23, s24, $0xb8;
	[tilespmem:$0x1DC00] =	vst v63  }
0x6d: {  	_ =	swait.ge [sflag:s18], $0x800  }
0x6e: {  	[sflag:s18] =	ssyncset.done $0x0  }
0x6f: {  	[sflag:s18] =	ssyncadd.s32 $0xFFFFF800  }
0x70: {  	[tilespmem:s28], [sflag:$0x1] =	stream.indirect.gather [spmem:s4], $0x60, s22, s24, $0xb8;
	[tilespmem:$0x1DC00] =	vst v63  }
0x71: {  	_ =	swait.ge [sflag:s18], $0x3000  }
0x72: {  	[sflag:s18] =	ssyncset.done $0x0  }
0x73: {  	s11 =	simm.s32 $0x0;
	[sflag:s18] =	ssyncadd.s32 $0xFFFFD000  }
0x74: {  	v7 =	vld [tilespmem:s11+$0x19400]  }
0x75: {  	v8 =	vld [tilespmem:s11+$0x18C00];
	_ =	sdelay $0x4  }
0x76: {  	v8 =	vadd.f32 v8, v7;
	_ =	sdelay $0x1  }
0x77: {  	v9 =	vmul.f32 $2.000000030e-01, v8  }
0x78: {  	vm1 =	vge.f32 v8, $0.0e+00  }
0x79: {  	v7 =	vperm.xlane v7, v0;
	v8 =	vsel vm1, v8, v9  }
0x7a: {  	v8 =	vmul.f32 $1.442695020e+00, v8  }
0x7b: {  	(erf) = vrcp.f32 v7  }
0x7c: {  	(erf) = vpow2.f32 v8;
	_ =	sdelay $0x4  }
0x7d: {  	s0 =	simm.s32 $0x19C30  }
0x7e: {  	v15 =	vld [tilespmem:s0+$0x0]  }
0x7f: {  	v18 =	vld [tilespmem:s0+$0x10]  }
0x80: {  	v7 =	vld [tilespmem:s0+$0xFFFFFFD0];
	v8 =	vpop (erf)  }
0x81: {  	v9 =	vld [tilespmem:s0+$0xFFFFFFE0];
	v10 =	vpop (erf)  }
0x82: {  	v8 =	vmul.f32 v10, v8;
	_ =	sdelay $0x1  }
0x83: {  	v60 =	vand.u32 $0xFFFF0000, v15;
	v10 =	vld [tilespmem:s0+$0xFFFFFFF0];
	v11 =	vperm.xlane v8, v1  }
0x84: {  	v61 =	vand.u32 $0xFFFF0000, v18;
	v12 =	vand.u32 $0xFFFF0000, v7;
	v7 =	vshll.u32 v7, $0x10  }
0x85: {  	v57 =	vshll.u32 v9, $0x10;
	v13 =	vperm.xlane v8, v2;
	v7 =	vmul.f32 v7, v11  }
0x86: {  	v9 =	vand.u32 $0xFFFF0000, v9;
	v14 =	vperm.xlane v8, v3;
	v11 =	vmul.f32 v12, v11  }
0x87: {  	v16 =	vperm.xlane v8, v4;
	v12 =	vmul.f32 v57, v13;
	v7 =	vadd.f32 $0.0e+00, v7  }
0x88: {  	v9 =	vmul.f32 v9, v13;
	v19 =	vshll.u32 v10, $0x10;
	v11 =	vadd.f32 $0.0e+00, v11  }
0x89: {  	v59 =	vld [tilespmem:s0+$0x20];
	v10 =	vand.u32 $0xFFFF0000, v10;
	v58 =	vmul.f32 v19, v14;
	v7 =	vadd.f32 v12, v7  }
0x8a: {  	v10 =	vmul.f32 v10, v14;
	v9 =	vadd.f32 v9, v11;
	v11 =	vshll.u32 v15, $0x10  }
0x8b: {  	v17 =	vperm.xlane v8, v5;
	v11 =	vmul.f32 v11, v16;
	v7 =	vadd.f32 v58, v7  }
0x8c: {  	v12 =	vmul.f32 v60, v16;
	v9 =	vadd.f32 v10, v9;
	v10 =	vshll.u32 v18, $0x10  }
0x8d: {  	v8 =	vperm.xlane v8, v6;
	v10 =	vmul.f32 v10, v17;
	v7 =	vadd.f32 v11, v7  }
0x8e: {  	v62 =	vshll.u32 v59, $0x10;
	v11 =	vmul.f32 v61, v17;
	v9 =	vadd.f32 v12, v9  }
0x8f: {  	v63 =	vmul.f32 v62, v8;
	v10 =	vadd.f32 v10, v7;
	v7 =	vand.u32 $0xFFFF0000, v59  }
0x90: {  	v9 =	vadd.f32 v11, v9;
	v7 =	vmul.f32 v7, v8  }
0x91: {  	s2 =	simm.s32 $0x1CC10;
	s8 =	simm.s32 $0x40;
	s10 =	simm.s32 $0x1CC10;
	v8 =	vadd.f32 v63, v10  }
.LBB2_7:
0x92: {  	p0 =	sne.s32 s8, $0x1FC0;
	v7 =	vadd.f32 v7, v9;
	s2 =	sadd.s32 $0x20, s2;
	s0 =	sadd.s32 $0x60, s0  }
0x93: {  	s11 =	smov.u32 s8;
	s8 =	sadd.s32 $0x40, s8;
	[tilespmem:s10+$0xFFFFFFF0] =	vst v8  }
0x94: {  	s11 =	sshra.s32 s11, $0x2;
	[tilespmem:s10+$0x0] =	vst v7;
	s10 =	smov.u32 s2  }
0x95: {  	v7 =	vld [tilespmem:s11+$0x19400]  }
0x96: {  	v8 =	vld [tilespmem:s11+$0x18C00];
	_ =	sdelay $0x3  }
0x97: {  	v9 =	vperm.xlane v7, v0  }
0x98: {  	v7 =	vadd.f32 v8, v7;
	_ =	sdelay $0x1  }
0x99: {  	vm1 =	vge.f32 v7, $0.0e+00;
	v8 =	vmul.f32 $2.000000030e-01, v7;
	_ =	sdelay $0x1  }
0x9a: {  	v7 =	vsel vm1, v7, v8  }
0x9b: {  	v7 =	vmul.f32 $1.442695020e+00, v7  }
0x9c: {  	(erf) = vrcp.f32 v9  }
0x9d: {  	(erf) = vpow2.f32 v7;
	_ =	sdelay $0x6  }
0x9e: {  	v7 =	vld [tilespmem:s0+$0xFFFFFFD0]  }
0x9f: {  	v8 =	vpop (erf)  }
0xa0: {  	v9 =	vld [tilespmem:s0+$0xFFFFFFE0];
	v10 =	vpop (erf)  }
0xa1: {  	v8 =	vmul.f32 v10, v8  }
0xa2: {  	v10 =	vld [tilespmem:s0+$0xFFFFFFF0]  }
0xa3: {  	v11 =	vperm.xlane v8, v1;
	v12 =	vand.u32 $0xFFFF0000, v7;
	v13 =	vperm.xlane v8, v2  }
0xa4: {  	v7 =	vshll.u32 v7, $0x10;
	v14 =	vperm.xlane v8, v3;
	v15 =	vperm.xlane v8, v4;
	v16 =	vld [tilespmem:s0+$0x0]  }
0xa5: {  	v7 =	vmul.f32 v7, v11;
	v11 =	vmul.f32 v12, v11;
	v12 =	vshll.u32 v9, $0x10  }
0xa6: {  	v17 =	vperm.xlane v8, v5;
	v9 =	vand.u32 $0xFFFF0000, v9;
	v12 =	vmul.f32 v12, v13;
	v18 =	vld [tilespmem:s0+$0x10]  }
0xa7: {  	v7 =	vadd.f32 $0.0e+00, v7;
	v11 =	vadd.f32 $0.0e+00, v11;
	v19 =	vshll.u32 v10, $0x10  }
0xa8: {  	v9 =	vmul.f32 v9, v13;
	v10 =	vand.u32 $0xFFFF0000, v10;
	v13 =	vmul.f32 v19, v14;
	v19 =	vld [tilespmem:s0+$0x20]  }
0xa9: {  	v8 =	vperm.xlane v8, v6;
	v10 =	vmul.f32 v10, v14;
	v7 =	vadd.f32 v12, v7  }
0xaa: {  	v9 =	vadd.f32 v9, v11;
	v11 =	vshll.u32 v16, $0x10;
	v12 =	vand.u32 $0xFFFF0000, v16  }
0xab: {  	v11 =	vmul.f32 v11, v15;
	v12 =	vmul.f32 v12, v15;
	v7 =	vadd.f32 v13, v7  }
0xac: {  	v9 =	vadd.f32 v10, v9;
	v10 =	vshll.u32 v18, $0x10;
	v13 =	vand.u32 $0xFFFF0000, v18  }
.Ltmp2:
0xad: {  	v10 =	vmul.f32 v10, v17;
	v7 =	vadd.f32 v11, v7;
	v11 =	vmul.f32 v13, v17;
	(pc) =	sbr.rel @p0 .LBB2_7-.Ltmp2, $4  }
0xae: {  	v9 =	vadd.f32 v12, v9;
	v12 =	vshll.u32 v19, $0x10;
	v13 =	vand.u32 $0xFFFF0000, v19  }
0xaf: {  	v12 =	vmul.f32 v12, v8;
	v10 =	vadd.f32 v10, v7;
	v7 =	vmul.f32 v13, v8  }
0xb0: {  	v9 =	vadd.f32 v11, v9  }
0xb1: {  	v8 =	vadd.f32 v12, v10  }
0xb2: {  	v7 =	vadd.f32 v7, v9;
	s31 =	sadd.s32 $0x1, s31  }
0xb3: {  	[tilespmem:s10+$0xFFFFFFF0] =	vst v8;
	p0 =	sne.s32 s31, $0x51  }
.Ltmp3:
0xb4: {  	[tilespmem:s10+$0x0] =	vst v7;
	(pc) =	sbr.rel @p0 .LBB2_6-.Ltmp3, $4  }
0xb5: {  	[spmem:s5] =	stream.indirect.scatter.add.f32 [tilespmem:s29], [sflag:$0x1], $0x20, s23, s24, $0xb8;
	[tilespmem:$0x1DC00] =	vst v63  }
0xb6: {  	_ =	swait.ge [sflag:s18], $0x1000  }
0xb7: {  	[sflag:s18] =	ssyncset.done $0x0  }
0xb8: {  	[sflag:s18] =	ssyncadd.s32 $0xFFFFF000  }
0xb9: {  	s6 =	sadd.s32 $0x1, s6  }
0xba: {  	p0 =	sne.s32 s6, s16  }
.Ltmp4:
0xbb: {  	[bflag:$0x0] =	sbarrier.arrive $0xFFFF;
	(pc) =	sbr.rel @p0 .LBB2_1-.Ltmp4, $4  }
0xbc: {  	[hbm:s15], [sflag:s9] =	dma.local [spmem:s21], $0x9E0  }
0xbd: {  	_ =	swait.ge [sflag:s18], $0x9E0  }
0xbe: {  	[sflag:s18] =	ssyncset.done $0x0  }
0xbf: {  	[sflag:s18] =	ssyncadd.s32 $0xFFFFF620  }
0xc0: {  	_ =	sfence.sel $0x180000  }
0xc1: {  	[bflag:$0x0] =	sbarrier.arrive $0xFFFF  }
0xc2: {  	_ =	strace $0x90000047  }
0xc3: {  	s0 =	stileid.u32;
	[bflag:$0x2] =	sbarrier.arrive $0xFFFF  }
0xc4: {  	p0 =	sne.s32 s0, $0x0;
	s0 =	rddreg [dreg:$0x6]  }
0xc5: {  	s0 =	sadd.s32 @!p0 $0x100000, s0  }
0xc6: {  	[sflag:s0] =	ssyncadd.tile.s32 @!p0 $0x1;
	_ =	shalt  }
.Lfunc_end2:
_tile_overlayer_lowered:
.L_overlay_start_2:
0xc7: {  	(tag) =	ssettag $0x2  }
0xc8: {  	s0 =	rddreg [dreg:$0x0];
	s2 =	stileid.u32  }
0xc9: {  	s1 =	rddreg [dreg:$0x1];
	p0 =	sne.s32 s2, $0x0  }
0xca: {  	s3 =	rddreg [dreg:$0x2];
	[bflag:$0x3] =	sbarrier.arrive $0xFFFF;
	s2 =	simm.s32 @!p0 $0x1C01  }
0xcb: {  	[timem:s3], [sflag:s2] =	dma.local @!p0 [hbm:s0], s1  }
0xcc: {  	s0 =	simm.s32 @!p0 $0x1  }
0xcd: {  	_ =	swait.ge @!p0 [sflag:s0], s1  }
0xce: {  	s1 =	ssub.s32 @!p0 $0x0, s1;
	[sflag:s0] =	ssyncset.done @!p0 $0x0  }
0xcf: {  	[sflag:s0] =	ssyncadd.s32 @!p0 s1  }
0xd0: {  	[bflag:$0x3] =	sbarrier.arrive $0xFFFF  }
0xd1: {  	_ =	shalt  }

</sc_bundles>
